<compile_context>
chip_gen: v7x
topology: tpu7x:2x2x1
jax: 0.10.2.dev20260603
libtpu: 0.0.44.dev20260713+nightly
codegen_flags: <defaults>
</compile_context>

<pallas_src>
import functools

import jax
import jax.numpy as jnp
from jax import lax
from jax.experimental import pallas as pl
from jax.experimental.pallas import tpu as pltpu
from jax.experimental.pallas import tpu_sc as plsc

THRESHOLD = 0.5
N, H, W = 5000, 64, 64
L = 16
NC, NS = 2, 16
NW = NC * NS
BN = 512
G = -(-N // BN)
NPAD = G * BN
CHL = 256
NCH = NPAD // CHL
NG = CHL // L


def _tc_body(x_ref, cp_ref, tbl_ref):
    x = x_ref[...]
    cp_ref[...] = x
    rm = jnp.max(x, axis=1) > THRESHOLD
    cm = jnp.max(x, axis=0) > THRESHOLD
    w32 = jnp.int32(1) << lax.broadcasted_iota(jnp.int32, (32, BN), 0)

    def bits(b):
        lo = jnp.sum(jnp.where(b[:32], w32, 0), axis=0)
        hi = jnp.sum(jnp.where(b[32:], w32, 0), axis=0)
        return lo, hi

    rlo, rhi = bits(rm)
    clo, chi = bits(cm)
    z = jnp.zeros_like(rlo)
    tbl_ref[...] = jnp.stack([rlo, rhi, clo, chi, z, z, z, z], axis=0)


_tc_pass = pl.pallas_call(
    _tc_body,
    grid=(G,),
    in_specs=[pl.BlockSpec((H, W, BN), lambda g: (0, 0, g))],
    out_specs=[
        pl.BlockSpec((H, W, BN), lambda g: (0, 0, g)),
        pl.BlockSpec((8, BN), lambda g: (0, g)),
    ],
    out_shape=[
        jax.ShapeDtypeStruct((H, W, N), jnp.float32),
        jax.ShapeDtypeStruct((8, NPAD), jnp.int32),
    ],
    compiler_params=pltpu.CompilerParams(vmem_limit_bytes=50 * 1024 * 1024),
)


def _ctz(x):
    n = jnp.zeros((L,), jnp.int32)
    for shift, mask in ((16, 0xFFFF), (8, 0xFF), (4, 0xF), (2, 0x3), (1, 0x1)):
        c = (x & mask) == 0
        n = n + jnp.where(c, shift, 0)
        x = jnp.where(c, x >> shift, x)
    return n


def _fls(x):
    n = jnp.zeros((L,), jnp.int32)
    for shift, mask in ((16, -65536), (8, 0xFF00), (4, 0xF0), (2, 0xC), (1, 0x2)):
        c = (x & mask) != 0
        n = n + jnp.where(c, shift, 0)
        x = jnp.where(c, x >> shift, x)
    return n


def _minmax_idx(lo, hi, empty_min, empty_max):
    lo0 = lo == 0
    hi0 = hi == 0
    both0 = lo0 & hi0
    mn = jnp.where(both0, empty_min,
                   jnp.where(lo0, 32 + _ctz(hi), _ctz(lo)))
    mx = jnp.where(both0, empty_max,
                   jnp.where(hi0, _fls(lo), 32 + _fls(hi)))
    return mn.astype(jnp.float32), mx.astype(jnp.float32)

_mesh = plsc.VectorSubcoreMesh(core_axis_name="c", subcore_axis_name="s")


@functools.partial(
    pl.kernel,
    mesh=_mesh,
    out_type=jax.ShapeDtypeStruct((2, 2, NPAD), jnp.float32),
    scratch_types=[
        pltpu.VMEM((8, CHL), jnp.int32),
        pltpu.VMEM((2, 2, CHL), jnp.float32),
    ],
    compiler_params=pltpu.CompilerParams(needs_layout_passes=False),
)
def _sc_boxes(tbl_hbm, out_hbm, buf, obuf):
    wid = lax.axis_index("s") * NC + lax.axis_index("c")
    cid = wid

    @pl.when(cid < NCH)
    def _process():
        base = cid * CHL
        pltpu.sync_copy(tbl_hbm.at[:, pl.ds(base, CHL)], buf)

        def group_body(g, _):
            off = pl.multiple_of(g * L, L)
            rlo = buf[0, pl.ds(off, L)]
            rhi = buf[1, pl.ds(off, L)]
            clo = buf[2, pl.ds(off, L)]
            chi = buf[3, pl.ds(off, L)]
            mnr, mxr = _minmax_idx(rlo, rhi, H, -1)
            mnc, mxc = _minmax_idx(clo, chi, W, -1)
            obuf[0, 0, pl.ds(off, L)] = mnc
            obuf[0, 1, pl.ds(off, L)] = mnr
            obuf[1, 0, pl.ds(off, L)] = mxc
            obuf[1, 1, pl.ds(off, L)] = mxr
            return 0

        lax.fori_loop(0, NG, group_body, 0)
        pltpu.sync_copy(obuf, out_hbm.at[:, :, pl.ds(base, CHL)])


def kernel(masks):
    mt = jnp.transpose(masks, (1, 2, 0))
    cp, tbl = _tc_pass(mt)
    b4 = _sc_boxes(tbl)
    masks_out = jnp.transpose(cp, (2, 0, 1))
    boxes_2d = jnp.transpose(b4[:, :, :N], (2, 0, 1))
    return masks_out, boxes_2d

# --- scband reference (transcript-rebuilt; emitter-appended) ---
"""Pipeline reference for scband-box-generator-60550448939052 (READ-ONLY COPY).

The authoritative reference and input builder live on the scoring server;
editing this copy changes nothing except your own understanding.
"""

import jax, jax.numpy as jnp
import numpy as np

THRESHOLD = 0.5

def setup_inputs(seed: int = 0) -> dict:
    key = jax.random.key(seed)
    masks = jax.random.uniform(key, (5000, 64, 64), dtype=jnp.float32)
    return {"masks": masks}

def reference(masks):
    # Faithful translation of BoxGenerator.forward:
    #   binary = masks > threshold
    #   per mask: rows, cols = np.where(binary)
    #   box = [[min(rows), min(cols)], [max(rows), max(cols)]] then flip(-1) -> (x, y) order
    binary = masks > THRESHOLD
    N, H, W = masks.shape
    row_has = jnp.any(binary, axis=2)   # [N, H]
    col_has = jnp.any(binary, axis=1)   # [N, W]
    r_idx = jnp.arange(H)
    c_idx = jnp.arange(W)
    min_r = jnp.min(jnp.where(row_has, r_idx[None, :], H), axis=1)
    max_r = jnp.max(jnp.where(row_has, r_idx[None, :], -1), axis=1)
    min_c = jnp.min(jnp.where(col_has, c_idx[None, :], W), axis=1)
    max_c = jnp.max(jnp.where(col_has, c_idx[None, :], -1), axis=1)
    mins = jnp.stack([min_r, min_c], axis=-1)          # [N, 2] (y, x)
    maxs = jnp.stack([max_r, max_c], axis=-1)          # [N, 2] (y, x)
    boxes = jnp.stack([mins, maxs], axis=1)            # [N, 2, 2]
    boxes_2d = jnp.flip(boxes, axis=-1).astype(masks.dtype)  # flip(-1) -> (x, y), .to(masks)
    return masks, boxes_2d

if __name__ == "__main__":
    import jax
    _d = setup_inputs()
    print(jax.jit(kernel)(*tuple(_d.values())))

</pallas_src>

<mosaic_0001>
#map = affine_map<(d0, d1) -> (0, 0)>
#map1 = affine_map<(d0, d1) -> (0, 0, 0)>
module attributes {stable_mosaic.version = 14 : i64} {
  func.func @_sc_boxes(%arg0: i32, %arg1: i32, %arg2: memref<8x5120xi32, #tpu.memory_space<hbm>>, %arg3: memref<2x2x5120xf32, #tpu.memory_space<hbm>>, %arg4: memref<8x256xi32, #tpu.memory_space<vmem>>, %arg5: memref<2x2x256xf32, #tpu.memory_space<vmem>>) attributes {dimension_semantics = [#tpu.dimension_semantics<core_parallel>, #tpu.dimension_semantics<subcore_parallel>], iteration_bounds = array<i64: 2, 16>, scalar_prefetch = 0 : i64, scratch_operands = 2 : i64, tpu.core_type = #tpu.core_type<sc_vector_subcore>, window_params = [{transform_indices = #map}, {transform_indices = #map1}]} {
    %mul3A = arith.constant 2 : i32
    %mul3A_0 = arith.muli %arg1, %mul3A : i32
    %add3A = arith.addi %mul3A_0, %arg0 : i32
    %lt3A = arith.constant 20 : i32
    %lt3A_1 = arith.cmpi slt, %add3A, %lt3A : i32
    %convert_element_type3A = arith.extui %lt3A_1 : i1 to i32
    %cond3A = arith.constant 0 : i32
    %cond3A_2 = arith.cmpi ne, %convert_element_type3A, %cond3A : i32
    scf.if %cond3A_2 {
      %mul3A_3 = arith.constant 256 : i32
      %mul3A_4 = arith.muli %add3A, %mul3A_3 : i32
      "tpu.region"() ({
        %run_scoped3A = tpu.sem_alloc : memref<!tpu.dma_semaphore, #tpu.memory_space<semaphore_mem>>
        %dma_start3A = arith.constant 0 : i32
        %dma_start3A_11 = tpu.memref_slice %arg2[%dma_start3A, %mul3A_4] : memref<8x5120xi32, #tpu.memory_space<hbm>> -> memref<8x256xi32, #tpu.memory_space<hbm>>
        %dma_start3A_12 = arith.constant 0 : i32
        %dma_start3A_13 = tpu.memref_slice %arg2[%dma_start3A_12, %mul3A_4] : memref<8x5120xi32, #tpu.memory_space<hbm>> -> memref<8x256xi32, #tpu.memory_space<hbm>>
        tpu.enqueue_dma source(%dma_start3A_13 : memref<8x256xi32, #tpu.memory_space<hbm>>) target(%arg4 : memref<8x256xi32, #tpu.memory_space<vmem>>) target_semaphore(%run_scoped3A : memref<!tpu.dma_semaphore, #tpu.memory_space<semaphore_mem>>)
        %dma_wait3A = arith.constant 0 : i32
        %dma_wait3A_14 = tpu.memref_slice %arg2[%dma_wait3A, %mul3A_4] : memref<8x5120xi32, #tpu.memory_space<hbm>> -> memref<8x256xi32, #tpu.memory_space<hbm>>
        %dma_wait3A_15 = arith.constant 0 : i32
        %dma_wait3A_16 = tpu.memref_slice %arg2[%dma_wait3A_15, %mul3A_4] : memref<8x5120xi32, #tpu.memory_space<hbm>> -> memref<8x256xi32, #tpu.memory_space<hbm>>
        tpu.wait_dma2 semaphore(%run_scoped3A : memref<!tpu.dma_semaphore, #tpu.memory_space<semaphore_mem>>) src(%dma_wait3A_16 : memref<8x256xi32, #tpu.memory_space<hbm>>) dst(%arg4 : memref<8x256xi32, #tpu.memory_space<vmem>>)
        tpu.yield
      }) : () -> ()
      %scan3A = arith.constant 0 : i32
      %scan3A_5 = arith.constant 0 : i32
      %scan3A_6 = arith.constant 16 : i32
      %scan3A_7 = arith.addi %scan3A_5, %scan3A_6 : i32
      %scan3A_8 = arith.constant 1 : i32
      %scan3A_9 = scf.for %scan3A_11 = %scan3A_5 to %scan3A_7 step %scan3A_8 iter_args(%scan3A_12 = %scan3A) -> (i32)  : i32 {
        %mul3A_13 = arith.constant 16 : i32
        %mul3A_14 = arith.muli %scan3A_11, %mul3A_13 : i32
        %multiple_of3A = tpu.assume_multiple %mul3A_14, 16 : i32
        %get3A = arith.constant 0 : i32
        %get3A_15 = arith.index_cast %get3A : i32 to index
        %get3A_16 = arith.index_cast %multiple_of3A : i32 to index
        %get3A_17 = tpu.vector_load %arg4[%get3A_15, %get3A_16] {strides = array<i32>} : memref<8x256xi32, #tpu.memory_space<vmem>>, vector<16xi32>,
        %get3A_18 = arith.constant 1 : i32
        %get3A_19 = arith.index_cast %get3A_18 : i32 to index
        %get3A_20 = arith.index_cast %multiple_of3A : i32 to index
        %get3A_21 = tpu.vector_load %arg4[%get3A_19, %get3A_20] {strides = array<i32>} : memref<8x256xi32, #tpu.memory_space<vmem>>, vector<16xi32>,
        %get3A_22 = arith.constant 2 : i32
        %get3A_23 = arith.index_cast %get3A_22 : i32 to index
        %get3A_24 = arith.index_cast %multiple_of3A : i32 to index
        %get3A_25 = tpu.vector_load %arg4[%get3A_23, %get3A_24] {strides = array<i32>} : memref<8x256xi32, #tpu.memory_space<vmem>>, vector<16xi32>,
        %get3A_26 = arith.constant 3 : i32
        %get3A_27 = arith.index_cast %get3A_26 : i32 to index
        %get3A_28 = arith.index_cast %multiple_of3A : i32 to index
        %get3A_29 = tpu.vector_load %arg4[%get3A_27, %get3A_28] {strides = array<i32>} : memref<8x256xi32, #tpu.memory_space<vmem>>, vector<16xi32>,
        %eq3A = arith.constant 0 : i32
        %eq3A_30 = vector.broadcast %eq3A : i32 to vector<16xi32>
        %eq3A_31 = arith.cmpi eq, %get3A_17, %eq3A_30 : vector<16xi32>
        %eq3A_32 = arith.constant 0 : i32
        %eq3A_33 = vector.broadcast %eq3A_32 : i32 to vector<16xi32>
        %eq3A_34 = arith.cmpi eq, %get3A_21, %eq3A_33 : vector<16xi32>
        %and3A = arith.andi %eq3A_31, %eq3A_34 : vector<16xi1>
        %broadcast_in_dim3A = arith.constant 0 : i32
        %broadcast_in_dim3A_35 = vector.broadcast %broadcast_in_dim3A : i32 to vector<16xi32>
        %and3A_36 = arith.constant 65535 : i32
        %and3A_37 = vector.broadcast %and3A_36 : i32 to vector<16xi32>
        %and3A_38 = arith.andi %get3A_21, %and3A_37 : vector<16xi32>
        %eq3A_39 = arith.constant 0 : i32
        %eq3A_40 = vector.broadcast %eq3A_39 : i32 to vector<16xi32>
        %eq3A_41 = arith.cmpi eq, %and3A_38, %eq3A_40 : vector<16xi32>
        %jit3A = arith.constant 16 : i32
        %jit3A_42 = arith.constant 0 : i32
        %broadcast_in_dim3A_43 = vector.broadcast %jit3A : i32 to vector<16xi32>
        %broadcast_in_dim3A_44 = vector.broadcast %jit3A_42 : i32 to vector<16xi32>
        %select_n3A = arith.select %eq3A_41, %broadcast_in_dim3A_43, %broadcast_in_dim3A_44 : vector<16xi1>, vector<16xi32>
        %add3A_45 = arith.addi %broadcast_in_dim3A_35, %select_n3A : vector<16xi32>
        %shift_right_arithmetic3A = arith.constant 16 : i32
        %shift_right_arithmetic3A_46 = vector.broadcast %shift_right_arithmetic3A : i32 to vector<16xi32>
        %shift_right_arithmetic3A_47 = arith.shrsi %get3A_21, %shift_right_arithmetic3A_46 : vector<16xi32>
        %select_n3A_48 = arith.select %eq3A_41, %shift_right_arithmetic3A_47, %get3A_21 : vector<16xi1>, vector<16xi32>
        %and3A_49 = arith.constant 255 : i32
        %and3A_50 = vector.broadcast %and3A_49 : i32 to vector<16xi32>
        %and3A_51 = arith.andi %select_n3A_48, %and3A_50 : vector<16xi32>
        %eq3A_52 = arith.constant 0 : i32
        %eq3A_53 = vector.broadcast %eq3A_52 : i32 to vector<16xi32>
        %eq3A_54 = arith.cmpi eq, %and3A_51, %eq3A_53 : vector<16xi32>
        %jit3A_55 = arith.constant 8 : i32
        %jit3A_56 = arith.constant 0 : i32
        %broadcast_in_dim3A_57 = vector.broadcast %jit3A_55 : i32 to vector<16xi32>
        %broadcast_in_dim3A_58 = vector.broadcast %jit3A_56 : i32 to vector<16xi32>
        %select_n3A_59 = arith.select %eq3A_54, %broadcast_in_dim3A_57, %broadcast_in_dim3A_58 : vector<16xi1>, vector<16xi32>
        %add3A_60 = arith.addi %add3A_45, %select_n3A_59 : vector<16xi32>
        %shift_right_arithmetic3A_61 = arith.constant 8 : i32
        %shift_right_arithmetic3A_62 = vector.broadcast %shift_right_arithmetic3A_61 : i32 to vector<16xi32>
        %shift_right_arithmetic3A_63 = arith.shrsi %select_n3A_48, %shift_right_arithmetic3A_62 : vector<16xi32>
        %select_n3A_64 = arith.select %eq3A_54, %shift_right_arithmetic3A_63, %select_n3A_48 : vector<16xi1>, vector<16xi32>
        %and3A_65 = arith.constant 15 : i32
        %and3A_66 = vector.broadcast %and3A_65 : i32 to vector<16xi32>
        %and3A_67 = arith.andi %select_n3A_64, %and3A_66 : vector<16xi32>
        %eq3A_68 = arith.constant 0 : i32
        %eq3A_69 = vector.broadcast %eq3A_68 : i32 to vector<16xi32>
        %eq3A_70 = arith.cmpi eq, %and3A_67, %eq3A_69 : vector<16xi32>
        %jit3A_71 = arith.constant 4 : i32
        %jit3A_72 = arith.constant 0 : i32
        %broadcast_in_dim3A_73 = vector.broadcast %jit3A_71 : i32 to vector<16xi32>
        %broadcast_in_dim3A_74 = vector.broadcast %jit3A_72 : i32 to vector<16xi32>
        %select_n3A_75 = arith.select %eq3A_70, %broadcast_in_dim3A_73, %broadcast_in_dim3A_74 : vector<16xi1>, vector<16xi32>
        %add3A_76 = arith.addi %add3A_60, %select_n3A_75 : vector<16xi32>
        %shift_right_arithmetic3A_77 = arith.constant 4 : i32
        %shift_right_arithmetic3A_78 = vector.broadcast %shift_right_arithmetic3A_77 : i32 to vector<16xi32>
        %shift_right_arithmetic3A_79 = arith.shrsi %select_n3A_64, %shift_right_arithmetic3A_78 : vector<16xi32>
        %select_n3A_80 = arith.select %eq3A_70, %shift_right_arithmetic3A_79, %select_n3A_64 : vector<16xi1>, vector<16xi32>
        %and3A_81 = arith.constant 3 : i32
        %and3A_82 = vector.broadcast %and3A_81 : i32 to vector<16xi32>
        %and3A_83 = arith.andi %select_n3A_80, %and3A_82 : vector<16xi32>
        %eq3A_84 = arith.constant 0 : i32
        %eq3A_85 = vector.broadcast %eq3A_84 : i32 to vector<16xi32>
        %eq3A_86 = arith.cmpi eq, %and3A_83, %eq3A_85 : vector<16xi32>
        %jit3A_87 = arith.constant 2 : i32
        %jit3A_88 = arith.constant 0 : i32
        %broadcast_in_dim3A_89 = vector.broadcast %jit3A_87 : i32 to vector<16xi32>
        %broadcast_in_dim3A_90 = vector.broadcast %jit3A_88 : i32 to vector<16xi32>
        %select_n3A_91 = arith.select %eq3A_86, %broadcast_in_dim3A_89, %broadcast_in_dim3A_90 : vector<16xi1>, vector<16xi32>
        %add3A_92 = arith.addi %add3A_76, %select_n3A_91 : vector<16xi32>
        %shift_right_arithmetic3A_93 = arith.constant 2 : i32
        %shift_right_arithmetic3A_94 = vector.broadcast %shift_right_arithmetic3A_93 : i32 to vector<16xi32>
        %shift_right_arithmetic3A_95 = arith.shrsi %select_n3A_80, %shift_right_arithmetic3A_94 : vector<16xi32>
        %select_n3A_96 = arith.select %eq3A_86, %shift_right_arithmetic3A_95, %select_n3A_80 : vector<16xi1>, vector<16xi32>
        %and3A_97 = arith.constant 1 : i32
        %and3A_98 = vector.broadcast %and3A_97 : i32 to vector<16xi32>
        %and3A_99 = arith.andi %select_n3A_96, %and3A_98 : vector<16xi32>
        %eq3A_100 = arith.constant 0 : i32
        %eq3A_101 = vector.broadcast %eq3A_100 : i32 to vector<16xi32>
        %eq3A_102 = arith.cmpi eq, %and3A_99, %eq3A_101 : vector<16xi32>
        %jit3A_103 = arith.constant 1 : i32
        %jit3A_104 = arith.constant 0 : i32
        %broadcast_in_dim3A_105 = vector.broadcast %jit3A_103 : i32 to vector<16xi32>
        %broadcast_in_dim3A_106 = vector.broadcast %jit3A_104 : i32 to vector<16xi32>
        %select_n3A_107 = arith.select %eq3A_102, %broadcast_in_dim3A_105, %broadcast_in_dim3A_106 : vector<16xi1>, vector<16xi32>
        %add3A_108 = arith.addi %add3A_92, %select_n3A_107 : vector<16xi32>
        %shift_right_arithmetic3A_109 = arith.constant 1 : i32
        %shift_right_arithmetic3A_110 = vector.broadcast %shift_right_arithmetic3A_109 : i32 to vector<16xi32>
        %shift_right_arithmetic3A_111 = arith.shrsi %select_n3A_96, %shift_right_arithmetic3A_110 : vector<16xi32>
        %select_n3A_112 = arith.select %eq3A_102, %shift_right_arithmetic3A_111, %select_n3A_96 : vector<16xi1>, vector<16xi32>
        %add3A_113 = arith.constant 32 : i32
        %add3A_114 = vector.broadcast %add3A_113 : i32 to vector<16xi32>
        %add3A_115 = arith.addi %add3A_114, %add3A_108 : vector<16xi32>
        %broadcast_in_dim3A_116 = arith.constant 0 : i32
        %broadcast_in_dim3A_117 = vector.broadcast %broadcast_in_dim3A_116 : i32 to vector<16xi32>
        %and3A_118 = arith.constant 65535 : i32
        %and3A_119 = vector.broadcast %and3A_118 : i32 to vector<16xi32>
        %and3A_120 = arith.andi %get3A_17, %and3A_119 : vector<16xi32>
        %eq3A_121 = arith.constant 0 : i32
        %eq3A_122 = vector.broadcast %eq3A_121 : i32 to vector<16xi32>
        %eq3A_123 = arith.cmpi eq, %and3A_120, %eq3A_122 : vector<16xi32>
        %jit3A_124 = arith.constant 16 : i32
        %jit3A_125 = arith.constant 0 : i32
        %broadcast_in_dim3A_126 = vector.broadcast %jit3A_124 : i32 to vector<16xi32>
        %broadcast_in_dim3A_127 = vector.broadcast %jit3A_125 : i32 to vector<16xi32>
        %select_n3A_128 = arith.select %eq3A_123, %broadcast_in_dim3A_126, %broadcast_in_dim3A_127 : vector<16xi1>, vector<16xi32>
        %add3A_129 = arith.addi %broadcast_in_dim3A_117, %select_n3A_128 : vector<16xi32>
        %shift_right_arithmetic3A_130 = arith.constant 16 : i32
        %shift_right_arithmetic3A_131 = vector.broadcast %shift_right_arithmetic3A_130 : i32 to vector<16xi32>
        %shift_right_arithmetic3A_132 = arith.shrsi %get3A_17, %shift_right_arithmetic3A_131 : vector<16xi32>
        %select_n3A_133 = arith.select %eq3A_123, %shift_right_arithmetic3A_132, %get3A_17 : vector<16xi1>, vector<16xi32>
        %and3A_134 = arith.constant 255 : i32
        %and3A_135 = vector.broadcast %and3A_134 : i32 to vector<16xi32>
        %and3A_136 = arith.andi %select_n3A_133, %and3A_135 : vector<16xi32>
        %eq3A_137 = arith.constant 0 : i32
        %eq3A_138 = vector.broadcast %eq3A_137 : i32 to vector<16xi32>
        %eq3A_139 = arith.cmpi eq, %and3A_136, %eq3A_138 : vector<16xi32>
        %jit3A_140 = arith.constant 8 : i32
        %jit3A_141 = arith.constant 0 : i32
        %broadcast_in_dim3A_142 = vector.broadcast %jit3A_140 : i32 to vector<16xi32>
        %broadcast_in_dim3A_143 = vector.broadcast %jit3A_141 : i32 to vector<16xi32>
        %select_n3A_144 = arith.select %eq3A_139, %broadcast_in_dim3A_142, %broadcast_in_dim3A_143 : vector<16xi1>, vector<16xi32>
        %add3A_145 = arith.addi %add3A_129, %select_n3A_144 : vector<16xi32>
        %shift_right_arithmetic3A_146 = arith.constant 8 : i32
        %shift_right_arithmetic3A_147 = vector.broadcast %shift_right_arithmetic3A_146 : i32 to vector<16xi32>
        %shift_right_arithmetic3A_148 = arith.shrsi %select_n3A_133, %shift_right_arithmetic3A_147 : vector<16xi32>
        %select_n3A_149 = arith.select %eq3A_139, %shift_right_arithmetic3A_148, %select_n3A_133 : vector<16xi1>, vector<16xi32>
        %and3A_150 = arith.constant 15 : i32
        %and3A_151 = vector.broadcast %and3A_150 : i32 to vector<16xi32>
        %and3A_152 = arith.andi %select_n3A_149, %and3A_151 : vector<16xi32>
        %eq3A_153 = arith.constant 0 : i32
        %eq3A_154 = vector.broadcast %eq3A_153 : i32 to vector<16xi32>
        %eq3A_155 = arith.cmpi eq, %and3A_152, %eq3A_154 : vector<16xi32>
        %jit3A_156 = arith.constant 4 : i32
        %jit3A_157 = arith.constant 0 : i32
        %broadcast_in_dim3A_158 = vector.broadcast %jit3A_156 : i32 to vector<16xi32>
        %broadcast_in_dim3A_159 = vector.broadcast %jit3A_157 : i32 to vector<16xi32>
        %select_n3A_160 = arith.select %eq3A_155, %broadcast_in_dim3A_158, %broadcast_in_dim3A_159 : vector<16xi1>, vector<16xi32>
        %add3A_161 = arith.addi %add3A_145, %select_n3A_160 : vector<16xi32>
        %shift_right_arithmetic3A_162 = arith.constant 4 : i32
        %shift_right_arithmetic3A_163 = vector.broadcast %shift_right_arithmetic3A_162 : i32 to vector<16xi32>
        %shift_right_arithmetic3A_164 = arith.shrsi %select_n3A_149, %shift_right_arithmetic3A_163 : vector<16xi32>
        %select_n3A_165 = arith.select %eq3A_155, %shift_right_arithmetic3A_164, %select_n3A_149 : vector<16xi1>, vector<16xi32>
        %and3A_166 = arith.constant 3 : i32
        %and3A_167 = vector.broadcast %and3A_166 : i32 to vector<16xi32>
        %and3A_168 = arith.andi %select_n3A_165, %and3A_167 : vector<16xi32>
        %eq3A_169 = arith.constant 0 : i32
        %eq3A_170 = vector.broadcast %eq3A_169 : i32 to vector<16xi32>
        %eq3A_171 = arith.cmpi eq, %and3A_168, %eq3A_170 : vector<16xi32>
        %jit3A_172 = arith.constant 2 : i32
        %jit3A_173 = arith.constant 0 : i32
        %broadcast_in_dim3A_174 = vector.broadcast %jit3A_172 : i32 to vector<16xi32>
        %broadcast_in_dim3A_175 = vector.broadcast %jit3A_173 : i32 to vector<16xi32>
        %select_n3A_176 = arith.select %eq3A_171, %broadcast_in_dim3A_174, %broadcast_in_dim3A_175 : vector<16xi1>, vector<16xi32>
        %add3A_177 = arith.addi %add3A_161, %select_n3A_176 : vector<16xi32>
        %shift_right_arithmetic3A_178 = arith.constant 2 : i32
        %shift_right_arithmetic3A_179 = vector.broadcast %shift_right_arithmetic3A_178 : i32 to vector<16xi32>
        %shift_right_arithmetic3A_180 = arith.shrsi %select_n3A_165, %shift_right_arithmetic3A_179 : vector<16xi32>
        %select_n3A_181 = arith.select %eq3A_171, %shift_right_arithmetic3A_180, %select_n3A_165 : vector<16xi1>, vector<16xi32>
        %and3A_182 = arith.constant 1 : i32
        %and3A_183 = vector.broadcast %and3A_182 : i32 to vector<16xi32>
        %and3A_184 = arith.andi %select_n3A_181, %and3A_183 : vector<16xi32>
        %eq3A_185 = arith.constant 0 : i32
        %eq3A_186 = vector.broadcast %eq3A_185 : i32 to vector<16xi32>
        %eq3A_187 = arith.cmpi eq, %and3A_184, %eq3A_186 : vector<16xi32>
        %jit3A_188 = arith.constant 1 : i32
        %jit3A_189 = arith.constant 0 : i32
        %broadcast_in_dim3A_190 = vector.broadcast %jit3A_188 : i32 to vector<16xi32>
        %broadcast_in_dim3A_191 = vector.broadcast %jit3A_189 : i32 to vector<16xi32>
        %select_n3A_192 = arith.select %eq3A_187, %broadcast_in_dim3A_190, %broadcast_in_dim3A_191 : vector<16xi1>, vector<16xi32>
        %add3A_193 = arith.addi %add3A_177, %select_n3A_192 : vector<16xi32>
        %shift_right_arithmetic3A_194 = arith.constant 1 : i32
        %shift_right_arithmetic3A_195 = vector.broadcast %shift_right_arithmetic3A_194 : i32 to vector<16xi32>
        %shift_right_arithmetic3A_196 = arith.shrsi %select_n3A_181, %shift_right_arithmetic3A_195 : vector<16xi32>
        %select_n3A_197 = arith.select %eq3A_187, %shift_right_arithmetic3A_196, %select_n3A_181 : vector<16xi1>, vector<16xi32>
        %select_n3A_198 = arith.select %eq3A_31, %add3A_115, %add3A_193 : vector<16xi1>, vector<16xi32>
        %jit3A_199 = arith.constant 64 : i32
        %broadcast_in_dim3A_200 = vector.broadcast %jit3A_199 : i32 to vector<16xi32>
        %select_n3A_201 = arith.select %and3A, %broadcast_in_dim3A_200, %select_n3A_198 : vector<16xi1>, vector<16xi32>
        %broadcast_in_dim3A_202 = arith.constant 0 : i32
        %broadcast_in_dim3A_203 = vector.broadcast %broadcast_in_dim3A_202 : i32 to vector<16xi32>
        %and3A_204 = arith.constant -65536 : i32
        %and3A_205 = vector.broadcast %and3A_204 : i32 to vector<16xi32>
        %and3A_206 = arith.andi %get3A_17, %and3A_205 : vector<16xi32>
        %ne3A = arith.constant 0 : i32
        %ne3A_207 = vector.broadcast %ne3A : i32 to vector<16xi32>
        %ne3A_208 = arith.cmpi ne, %and3A_206, %ne3A_207 : vector<16xi32>
        %jit3A_209 = arith.constant 16 : i32
        %jit3A_210 = arith.constant 0 : i32
        %broadcast_in_dim3A_211 = vector.broadcast %jit3A_209 : i32 to vector<16xi32>
        %broadcast_in_dim3A_212 = vector.broadcast %jit3A_210 : i32 to vector<16xi32>
        %select_n3A_213 = arith.select %ne3A_208, %broadcast_in_dim3A_211, %broadcast_in_dim3A_212 : vector<16xi1>, vector<16xi32>
        %add3A_214 = arith.addi %broadcast_in_dim3A_203, %select_n3A_213 : vector<16xi32>
        %shift_right_arithmetic3A_215 = arith.constant 16 : i32
        %shift_right_arithmetic3A_216 = vector.broadcast %shift_right_arithmetic3A_215 : i32 to vector<16xi32>
        %shift_right_arithmetic3A_217 = arith.shrsi %get3A_17, %shift_right_arithmetic3A_216 : vector<16xi32>
        %select_n3A_218 = arith.select %ne3A_208, %shift_right_arithmetic3A_217, %get3A_17 : vector<16xi1>, vector<16xi32>
        %and3A_219 = arith.constant 65280 : i32
        %and3A_220 = vector.broadcast %and3A_219 : i32 to vector<16xi32>
        %and3A_221 = arith.andi %select_n3A_218, %and3A_220 : vector<16xi32>
        %ne3A_222 = arith.constant 0 : i32
        %ne3A_223 = vector.broadcast %ne3A_222 : i32 to vector<16xi32>
        %ne3A_224 = arith.cmpi ne, %and3A_221, %ne3A_223 : vector<16xi32>
        %jit3A_225 = arith.constant 8 : i32
        %jit3A_226 = arith.constant 0 : i32
        %broadcast_in_dim3A_227 = vector.broadcast %jit3A_225 : i32 to vector<16xi32>
        %broadcast_in_dim3A_228 = vector.broadcast %jit3A_226 : i32 to vector<16xi32>
        %select_n3A_229 = arith.select %ne3A_224, %broadcast_in_dim3A_227, %broadcast_in_dim3A_228 : vector<16xi1>, vector<16xi32>
        %add3A_230 = arith.addi %add3A_214, %select_n3A_229 : vector<16xi32>
        %shift_right_arithmetic3A_231 = arith.constant 8 : i32
        %shift_right_arithmetic3A_232 = vector.broadcast %shift_right_arithmetic3A_231 : i32 to vector<16xi32>
        %shift_right_arithmetic3A_233 = arith.shrsi %select_n3A_218, %shift_right_arithmetic3A_232 : vector<16xi32>
        %select_n3A_234 = arith.select %ne3A_224, %shift_right_arithmetic3A_233, %select_n3A_218 : vector<16xi1>, vector<16xi32>
        %and3A_235 = arith.constant 240 : i32
        %and3A_236 = vector.broadcast %and3A_235 : i32 to vector<16xi32>
        %and3A_237 = arith.andi %select_n3A_234, %and3A_236 : vector<16xi32>
        %ne3A_238 = arith.constant 0 : i32
        %ne3A_239 = vector.broadcast %ne3A_238 : i32 to vector<16xi32>
        %ne3A_240 = arith.cmpi ne, %and3A_237, %ne3A_239 : vector<16xi32>
        %jit3A_241 = arith.constant 4 : i32
        %jit3A_242 = arith.constant 0 : i32
        %broadcast_in_dim3A_243 = vector.broadcast %jit3A_241 : i32 to vector<16xi32>
        %broadcast_in_dim3A_244 = vector.broadcast %jit3A_242 : i32 to vector<16xi32>
        %select_n3A_245 = arith.select %ne3A_240, %broadcast_in_dim3A_243, %broadcast_in_dim3A_244 : vector<16xi1>, vector<16xi32>
        %add3A_246 = arith.addi %add3A_230, %select_n3A_245 : vector<16xi32>
        %shift_right_arithmetic3A_247 = arith.constant 4 : i32
        %shift_right_arithmetic3A_248 = vector.broadcast %shift_right_arithmetic3A_247 : i32 to vector<16xi32>
        %shift_right_arithmetic3A_249 = arith.shrsi %select_n3A_234, %shift_right_arithmetic3A_248 : vector<16xi32>
        %select_n3A_250 = arith.select %ne3A_240, %shift_right_arithmetic3A_249, %select_n3A_234 : vector<16xi1>, vector<16xi32>
        %and3A_251 = arith.constant 12 : i32
        %and3A_252 = vector.broadcast %and3A_251 : i32 to vector<16xi32>
        %and3A_253 = arith.andi %select_n3A_250, %and3A_252 : vector<16xi32>
        %ne3A_254 = arith.constant 0 : i32
        %ne3A_255 = vector.broadcast %ne3A_254 : i32 to vector<16xi32>
        %ne3A_256 = arith.cmpi ne, %and3A_253, %ne3A_255 : vector<16xi32>
        %jit3A_257 = arith.constant 2 : i32
        %jit3A_258 = arith.constant 0 : i32
        %broadcast_in_dim3A_259 = vector.broadcast %jit3A_257 : i32 to vector<16xi32>
        %broadcast_in_dim3A_260 = vector.broadcast %jit3A_258 : i32 to vector<16xi32>
        %select_n3A_261 = arith.select %ne3A_256, %broadcast_in_dim3A_259, %broadcast_in_dim3A_260 : vector<16xi1>, vector<16xi32>
        %add3A_262 = arith.addi %add3A_246, %select_n3A_261 : vector<16xi32>
        %shift_right_arithmetic3A_263 = arith.constant 2 : i32
        %shift_right_arithmetic3A_264 = vector.broadcast %shift_right_arithmetic3A_263 : i32 to vector<16xi32>
        %shift_right_arithmetic3A_265 = arith.shrsi %select_n3A_250, %shift_right_arithmetic3A_264 : vector<16xi32>
        %select_n3A_266 = arith.select %ne3A_256, %shift_right_arithmetic3A_265, %select_n3A_250 : vector<16xi1>, vector<16xi32>
        %and3A_267 = arith.constant 2 : i32
        %and3A_268 = vector.broadcast %and3A_267 : i32 to vector<16xi32>
        %and3A_269 = arith.andi %select_n3A_266, %and3A_268 : vector<16xi32>
        %ne3A_270 = arith.constant 0 : i32
        %ne3A_271 = vector.broadcast %ne3A_270 : i32 to vector<16xi32>
        %ne3A_272 = arith.cmpi ne, %and3A_269, %ne3A_271 : vector<16xi32>
        %jit3A_273 = arith.constant 1 : i32
        %jit3A_274 = arith.constant 0 : i32
        %broadcast_in_dim3A_275 = vector.broadcast %jit3A_273 : i32 to vector<16xi32>
        %broadcast_in_dim3A_276 = vector.broadcast %jit3A_274 : i32 to vector<16xi32>
        %select_n3A_277 = arith.select %ne3A_272, %broadcast_in_dim3A_275, %broadcast_in_dim3A_276 : vector<16xi1>, vector<16xi32>
        %add3A_278 = arith.addi %add3A_262, %select_n3A_277 : vector<16xi32>
        %shift_right_arithmetic3A_279 = arith.constant 1 : i32
        %shift_right_arithmetic3A_280 = vector.broadcast %shift_right_arithmetic3A_279 : i32 to vector<16xi32>
        %shift_right_arithmetic3A_281 = arith.shrsi %select_n3A_266, %shift_right_arithmetic3A_280 : vector<16xi32>
        %select_n3A_282 = arith.select %ne3A_272, %shift_right_arithmetic3A_281, %select_n3A_266 : vector<16xi1>, vector<16xi32>
        %broadcast_in_dim3A_283 = arith.constant 0 : i32
        %broadcast_in_dim3A_284 = vector.broadcast %broadcast_in_dim3A_283 : i32 to vector<16xi32>
        %and3A_285 = arith.constant -65536 : i32
        %and3A_286 = vector.broadcast %and3A_285 : i32 to vector<16xi32>
        %and3A_287 = arith.andi %get3A_21, %and3A_286 : vector<16xi32>
        %ne3A_288 = arith.constant 0 : i32
        %ne3A_289 = vector.broadcast %ne3A_288 : i32 to vector<16xi32>
        %ne3A_290 = arith.cmpi ne, %and3A_287, %ne3A_289 : vector<16xi32>
        %jit3A_291 = arith.constant 16 : i32
        %jit3A_292 = arith.constant 0 : i32
        %broadcast_in_dim3A_293 = vector.broadcast %jit3A_291 : i32 to vector<16xi32>
        %broadcast_in_dim3A_294 = vector.broadcast %jit3A_292 : i32 to vector<16xi32>
        %select_n3A_295 = arith.select %ne3A_290, %broadcast_in_dim3A_293, %broadcast_in_dim3A_294 : vector<16xi1>, vector<16xi32>
        %add3A_296 = arith.addi %broadcast_in_dim3A_284, %select_n3A_295 : vector<16xi32>
        %shift_right_arithmetic3A_297 = arith.constant 16 : i32
        %shift_right_arithmetic3A_298 = vector.broadcast %shift_right_arithmetic3A_297 : i32 to vector<16xi32>
        %shift_right_arithmetic3A_299 = arith.shrsi %get3A_21, %shift_right_arithmetic3A_298 : vector<16xi32>
        %select_n3A_300 = arith.select %ne3A_290, %shift_right_arithmetic3A_299, %get3A_21 : vector<16xi1>, vector<16xi32>
        %and3A_301 = arith.constant 65280 : i32
        %and3A_302 = vector.broadcast %and3A_301 : i32 to vector<16xi32>
        %and3A_303 = arith.andi %select_n3A_300, %and3A_302 : vector<16xi32>
        %ne3A_304 = arith.constant 0 : i32
        %ne3A_305 = vector.broadcast %ne3A_304 : i32 to vector<16xi32>
        %ne3A_306 = arith.cmpi ne, %and3A_303, %ne3A_305 : vector<16xi32>
        %jit3A_307 = arith.constant 8 : i32
        %jit3A_308 = arith.constant 0 : i32
        %broadcast_in_dim3A_309 = vector.broadcast %jit3A_307 : i32 to vector<16xi32>
        %broadcast_in_dim3A_310 = vector.broadcast %jit3A_308 : i32 to vector<16xi32>
        %select_n3A_311 = arith.select %ne3A_306, %broadcast_in_dim3A_309, %broadcast_in_dim3A_310 : vector<16xi1>, vector<16xi32>
        %add3A_312 = arith.addi %add3A_296, %select_n3A_311 : vector<16xi32>
        %shift_right_arithmetic3A_313 = arith.constant 8 : i32
        %shift_right_arithmetic3A_314 = vector.broadcast %shift_right_arithmetic3A_313 : i32 to vector<16xi32>
        %shift_right_arithmetic3A_315 = arith.shrsi %select_n3A_300, %shift_right_arithmetic3A_314 : vector<16xi32>
        %select_n3A_316 = arith.select %ne3A_306, %shift_right_arithmetic3A_315, %select_n3A_300 : vector<16xi1>, vector<16xi32>
        %and3A_317 = arith.constant 240 : i32
        %and3A_318 = vector.broadcast %and3A_317 : i32 to vector<16xi32>
        %and3A_319 = arith.andi %select_n3A_316, %and3A_318 : vector<16xi32>
        %ne3A_320 = arith.constant 0 : i32
        %ne3A_321 = vector.broadcast %ne3A_320 : i32 to vector<16xi32>
        %ne3A_322 = arith.cmpi ne, %and3A_319, %ne3A_321 : vector<16xi32>
        %jit3A_323 = arith.constant 4 : i32
        %jit3A_324 = arith.constant 0 : i32
        %broadcast_in_dim3A_325 = vector.broadcast %jit3A_323 : i32 to vector<16xi32>
        %broadcast_in_dim3A_326 = vector.broadcast %jit3A_324 : i32 to vector<16xi32>
        %select_n3A_327 = arith.select %ne3A_322, %broadcast_in_dim3A_325, %broadcast_in_dim3A_326 : vector<16xi1>, vector<16xi32>
        %add3A_328 = arith.addi %add3A_312, %select_n3A_327 : vector<16xi32>
        %shift_right_arithmetic3A_329 = arith.constant 4 : i32
        %shift_right_arithmetic3A_330 = vector.broadcast %shift_right_arithmetic3A_329 : i32 to vector<16xi32>
        %shift_right_arithmetic3A_331 = arith.shrsi %select_n3A_316, %shift_right_arithmetic3A_330 : vector<16xi32>
        %select_n3A_332 = arith.select %ne3A_322, %shift_right_arithmetic3A_331, %select_n3A_316 : vector<16xi1>, vector<16xi32>
        %and3A_333 = arith.constant 12 : i32
        %and3A_334 = vector.broadcast %and3A_333 : i32 to vector<16xi32>
        %and3A_335 = arith.andi %select_n3A_332, %and3A_334 : vector<16xi32>
        %ne3A_336 = arith.constant 0 : i32
        %ne3A_337 = vector.broadcast %ne3A_336 : i32 to vector<16xi32>
        %ne3A_338 = arith.cmpi ne, %and3A_335, %ne3A_337 : vector<16xi32>
        %jit3A_339 = arith.constant 2 : i32
        %jit3A_340 = arith.constant 0 : i32
        %broadcast_in_dim3A_341 = vector.broadcast %jit3A_339 : i32 to vector<16xi32>
        %broadcast_in_dim3A_342 = vector.broadcast %jit3A_340 : i32 to vector<16xi32>
        %select_n3A_343 = arith.select %ne3A_338, %broadcast_in_dim3A_341, %broadcast_in_dim3A_342 : vector<16xi1>, vector<16xi32>
        %add3A_344 = arith.addi %add3A_328, %select_n3A_343 : vector<16xi32>
        %shift_right_arithmetic3A_345 = arith.constant 2 : i32
        %shift_right_arithmetic3A_346 = vector.broadcast %shift_right_arithmetic3A_345 : i32 to vector<16xi32>
        %shift_right_arithmetic3A_347 = arith.shrsi %select_n3A_332, %shift_right_arithmetic3A_346 : vector<16xi32>
        %select_n3A_348 = arith.select %ne3A_338, %shift_right_arithmetic3A_347, %select_n3A_332 : vector<16xi1>, vector<16xi32>
        %and3A_349 = arith.constant 2 : i32
        %and3A_350 = vector.broadcast %and3A_349 : i32 to vector<16xi32>
        %and3A_351 = arith.andi %select_n3A_348, %and3A_350 : vector<16xi32>
        %ne3A_352 = arith.constant 0 : i32
        %ne3A_353 = vector.broadcast %ne3A_352 : i32 to vector<16xi32>
        %ne3A_354 = arith.cmpi ne, %and3A_351, %ne3A_353 : vector<16xi32>
        %jit3A_355 = arith.constant 1 : i32
        %jit3A_356 = arith.constant 0 : i32
        %broadcast_in_dim3A_357 = vector.broadcast %jit3A_355 : i32 to vector<16xi32>
        %broadcast_in_dim3A_358 = vector.broadcast %jit3A_356 : i32 to vector<16xi32>
        %select_n3A_359 = arith.select %ne3A_354, %broadcast_in_dim3A_357, %broadcast_in_dim3A_358 : vector<16xi1>, vector<16xi32>
        %add3A_360 = arith.addi %add3A_344, %select_n3A_359 : vector<16xi32>
        %shift_right_arithmetic3A_361 = arith.constant 1 : i32
        %shift_right_arithmetic3A_362 = vector.broadcast %shift_right_arithmetic3A_361 : i32 to vector<16xi32>
        %shift_right_arithmetic3A_363 = arith.shrsi %select_n3A_348, %shift_right_arithmetic3A_362 : vector<16xi32>
        %select_n3A_364 = arith.select %ne3A_354, %shift_right_arithmetic3A_363, %select_n3A_348 : vector<16xi1>, vector<16xi32>
        %add3A_365 = arith.constant 32 : i32
        %add3A_366 = vector.broadcast %add3A_365 : i32 to vector<16xi32>
        %add3A_367 = arith.addi %add3A_366, %add3A_360 : vector<16xi32>
        %select_n3A_368 = arith.select %eq3A_34, %add3A_278, %add3A_367 : vector<16xi1>, vector<16xi32>
        %jit3A_369 = arith.constant -1 : i32
        %broadcast_in_dim3A_370 = vector.broadcast %jit3A_369 : i32 to vector<16xi32>
        %select_n3A_371 = arith.select %and3A, %broadcast_in_dim3A_370, %select_n3A_368 : vector<16xi1>, vector<16xi32>
        %convert_element_type3A_372 = arith.sitofp %select_n3A_201 : vector<16xi32> to vector<16xf32>
        %convert_element_type3A_373 = arith.sitofp %select_n3A_371 : vector<16xi32> to vector<16xf32>
        %eq3A_374 = arith.constant 0 : i32
        %eq3A_375 = vector.broadcast %eq3A_374 : i32 to vector<16xi32>
        %eq3A_376 = arith.cmpi eq, %get3A_25, %eq3A_375 : vector<16xi32>
        %eq3A_377 = arith.constant 0 : i32
        %eq3A_378 = vector.broadcast %eq3A_377 : i32 to vector<16xi32>
        %eq3A_379 = arith.cmpi eq, %get3A_29, %eq3A_378 : vector<16xi32>
        %and3A_380 = arith.andi %eq3A_376, %eq3A_379 : vector<16xi1>
        %broadcast_in_dim3A_381 = arith.constant 0 : i32
        %broadcast_in_dim3A_382 = vector.broadcast %broadcast_in_dim3A_381 : i32 to vector<16xi32>
        %and3A_383 = arith.constant 65535 : i32
        %and3A_384 = vector.broadcast %and3A_383 : i32 to vector<16xi32>
        %and3A_385 = arith.andi %get3A_29, %and3A_384 : vector<16xi32>
        %eq3A_386 = arith.constant 0 : i32
        %eq3A_387 = vector.broadcast %eq3A_386 : i32 to vector<16xi32>
        %eq3A_388 = arith.cmpi eq, %and3A_385, %eq3A_387 : vector<16xi32>
        %jit3A_389 = arith.constant 16 : i32
        %jit3A_390 = arith.constant 0 : i32
        %broadcast_in_dim3A_391 = vector.broadcast %jit3A_389 : i32 to vector<16xi32>
        %broadcast_in_dim3A_392 = vector.broadcast %jit3A_390 : i32 to vector<16xi32>
        %select_n3A_393 = arith.select %eq3A_388, %broadcast_in_dim3A_391, %broadcast_in_dim3A_392 : vector<16xi1>, vector<16xi32>
        %add3A_394 = arith.addi %broadcast_in_dim3A_382, %select_n3A_393 : vector<16xi32>
        %shift_right_arithmetic3A_395 = arith.constant 16 : i32
        %shift_right_arithmetic3A_396 = vector.broadcast %shift_right_arithmetic3A_395 : i32 to vector<16xi32>
        %shift_right_arithmetic3A_397 = arith.shrsi %get3A_29, %shift_right_arithmetic3A_396 : vector<16xi32>
        %select_n3A_398 = arith.select %eq3A_388, %shift_right_arithmetic3A_397, %get3A_29 : vector<16xi1>, vector<16xi32>
        %and3A_399 = arith.constant 255 : i32
        %and3A_400 = vector.broadcast %and3A_399 : i32 to vector<16xi32>
        %and3A_401 = arith.andi %select_n3A_398, %and3A_400 : vector<16xi32>
        %eq3A_402 = arith.constant 0 : i32
        %eq3A_403 = vector.broadcast %eq3A_402 : i32 to vector<16xi32>
        %eq3A_404 = arith.cmpi eq, %and3A_401, %eq3A_403 : vector<16xi32>
        %jit3A_405 = arith.constant 8 : i32
        %jit3A_406 = arith.constant 0 : i32
        %broadcast_in_dim3A_407 = vector.broadcast %jit3A_405 : i32 to vector<16xi32>
        %broadcast_in_dim3A_408 = vector.broadcast %jit3A_406 : i32 to vector<16xi32>
        %select_n3A_409 = arith.select %eq3A_404, %broadcast_in_dim3A_407, %broadcast_in_dim3A_408 : vector<16xi1>, vector<16xi32>
        %add3A_410 = arith.addi %add3A_394, %select_n3A_409 : vector<16xi32>
        %shift_right_arithmetic3A_411 = arith.constant 8 : i32
        %shift_right_arithmetic3A_412 = vector.broadcast %shift_right_arithmetic3A_411 : i32 to vector<16xi32>
        %shift_right_arithmetic3A_413 = arith.shrsi %select_n3A_398, %shift_right_arithmetic3A_412 : vector<16xi32>
        %select_n3A_414 = arith.select %eq3A_404, %shift_right_arithmetic3A_413, %select_n3A_398 : vector<16xi1>, vector<16xi32>
        %and3A_415 = arith.constant 15 : i32
        %and3A_416 = vector.broadcast %and3A_415 : i32 to vector<16xi32>
        %and3A_417 = arith.andi %select_n3A_414, %and3A_416 : vector<16xi32>
        %eq3A_418 = arith.constant 0 : i32
        %eq3A_419 = vector.broadcast %eq3A_418 : i32 to vector<16xi32>
        %eq3A_420 = arith.cmpi eq, %and3A_417, %eq3A_419 : vector<16xi32>
        %jit3A_421 = arith.constant 4 : i32
        %jit3A_422 = arith.constant 0 : i32
        %broadcast_in_dim3A_423 = vector.broadcast %jit3A_421 : i32 to vector<16xi32>
        %broadcast_in_dim3A_424 = vector.broadcast %jit3A_422 : i32 to vector<16xi32>
        %select_n3A_425 = arith.select %eq3A_420, %broadcast_in_dim3A_423, %broadcast_in_dim3A_424 : vector<16xi1>, vector<16xi32>
        %add3A_426 = arith.addi %add3A_410, %select_n3A_425 : vector<16xi32>
        %shift_right_arithmetic3A_427 = arith.constant 4 : i32
        %shift_right_arithmetic3A_428 = vector.broadcast %shift_right_arithmetic3A_427 : i32 to vector<16xi32>
        %shift_right_arithmetic3A_429 = arith.shrsi %select_n3A_414, %shift_right_arithmetic3A_428 : vector<16xi32>
        %select_n3A_430 = arith.select %eq3A_420, %shift_right_arithmetic3A_429, %select_n3A_414 : vector<16xi1>, vector<16xi32>
        %and3A_431 = arith.constant 3 : i32
        %and3A_432 = vector.broadcast %and3A_431 : i32 to vector<16xi32>
        %and3A_433 = arith.andi %select_n3A_430, %and3A_432 : vector<16xi32>
        %eq3A_434 = arith.constant 0 : i32
        %eq3A_435 = vector.broadcast %eq3A_434 : i32 to vector<16xi32>
        %eq3A_436 = arith.cmpi eq, %and3A_433, %eq3A_435 : vector<16xi32>
        %jit3A_437 = arith.constant 2 : i32
        %jit3A_438 = arith.constant 0 : i32
        %broadcast_in_dim3A_439 = vector.broadcast %jit3A_437 : i32 to vector<16xi32>
        %broadcast_in_dim3A_440 = vector.broadcast %jit3A_438 : i32 to vector<16xi32>
        %select_n3A_441 = arith.select %eq3A_436, %broadcast_in_dim3A_439, %broadcast_in_dim3A_440 : vector<16xi1>, vector<16xi32>
        %add3A_442 = arith.addi %add3A_426, %select_n3A_441 : vector<16xi32>
        %shift_right_arithmetic3A_443 = arith.constant 2 : i32
        %shift_right_arithmetic3A_444 = vector.broadcast %shift_right_arithmetic3A_443 : i32 to vector<16xi32>
        %shift_right_arithmetic3A_445 = arith.shrsi %select_n3A_430, %shift_right_arithmetic3A_444 : vector<16xi32>
        %select_n3A_446 = arith.select %eq3A_436, %shift_right_arithmetic3A_445, %select_n3A_430 : vector<16xi1>, vector<16xi32>
        %and3A_447 = arith.constant 1 : i32
        %and3A_448 = vector.broadcast %and3A_447 : i32 to vector<16xi32>
        %and3A_449 = arith.andi %select_n3A_446, %and3A_448 : vector<16xi32>
        %eq3A_450 = arith.constant 0 : i32
        %eq3A_451 = vector.broadcast %eq3A_450 : i32 to vector<16xi32>
        %eq3A_452 = arith.cmpi eq, %and3A_449, %eq3A_451 : vector<16xi32>
        %jit3A_453 = arith.constant 1 : i32
        %jit3A_454 = arith.constant 0 : i32
        %broadcast_in_dim3A_455 = vector.broadcast %jit3A_453 : i32 to vector<16xi32>
        %broadcast_in_dim3A_456 = vector.broadcast %jit3A_454 : i32 to vector<16xi32>
        %select_n3A_457 = arith.select %eq3A_452, %broadcast_in_dim3A_455, %broadcast_in_dim3A_456 : vector<16xi1>, vector<16xi32>
        %add3A_458 = arith.addi %add3A_442, %select_n3A_457 : vector<16xi32>
        %shift_right_arithmetic3A_459 = arith.constant 1 : i32
        %shift_right_arithmetic3A_460 = vector.broadcast %shift_right_arithmetic3A_459 : i32 to vector<16xi32>
        %shift_right_arithmetic3A_461 = arith.shrsi %select_n3A_446, %shift_right_arithmetic3A_460 : vector<16xi32>
        %select_n3A_462 = arith.select %eq3A_452, %shift_right_arithmetic3A_461, %select_n3A_446 : vector<16xi1>, vector<16xi32>
        %add3A_463 = arith.constant 32 : i32
        %add3A_464 = vector.broadcast %add3A_463 : i32 to vector<16xi32>
        %add3A_465 = arith.addi %add3A_464, %add3A_458 : vector<16xi32>
        %broadcast_in_dim3A_466 = arith.constant 0 : i32
        %broadcast_in_dim3A_467 = vector.broadcast %broadcast_in_dim3A_466 : i32 to vector<16xi32>
        %and3A_468 = arith.constant 65535 : i32
        %and3A_469 = vector.broadcast %and3A_468 : i32 to vector<16xi32>
        %and3A_470 = arith.andi %get3A_25, %and3A_469 : vector<16xi32>
        %eq3A_471 = arith.constant 0 : i32
        %eq3A_472 = vector.broadcast %eq3A_471 : i32 to vector<16xi32>
        %eq3A_473 = arith.cmpi eq, %and3A_470, %eq3A_472 : vector<16xi32>
        %jit3A_474 = arith.constant 16 : i32
        %jit3A_475 = arith.constant 0 : i32
        %broadcast_in_dim3A_476 = vector.broadcast %jit3A_474 : i32 to vector<16xi32>
        %broadcast_in_dim3A_477 = vector.broadcast %jit3A_475 : i32 to vector<16xi32>
        %select_n3A_478 = arith.select %eq3A_473, %broadcast_in_dim3A_476, %broadcast_in_dim3A_477 : vector<16xi1>, vector<16xi32>
        %add3A_479 = arith.addi %broadcast_in_dim3A_467, %select_n3A_478 : vector<16xi32>
        %shift_right_arithmetic3A_480 = arith.constant 16 : i32
        %shift_right_arithmetic3A_481 = vector.broadcast %shift_right_arithmetic3A_480 : i32 to vector<16xi32>
        %shift_right_arithmetic3A_482 = arith.shrsi %get3A_25, %shift_right_arithmetic3A_481 : vector<16xi32>
        %select_n3A_483 = arith.select %eq3A_473, %shift_right_arithmetic3A_482, %get3A_25 : vector<16xi1>, vector<16xi32>
        %and3A_484 = arith.constant 255 : i32
        %and3A_485 = vector.broadcast %and3A_484 : i32 to vector<16xi32>
        %and3A_486 = arith.andi %select_n3A_483, %and3A_485 : vector<16xi32>
        %eq3A_487 = arith.constant 0 : i32
        %eq3A_488 = vector.broadcast %eq3A_487 : i32 to vector<16xi32>
        %eq3A_489 = arith.cmpi eq, %and3A_486, %eq3A_488 : vector<16xi32>
        %jit3A_490 = arith.constant 8 : i32
        %jit3A_491 = arith.constant 0 : i32
        %broadcast_in_dim3A_492 = vector.broadcast %jit3A_490 : i32 to vector<16xi32>
        %broadcast_in_dim3A_493 = vector.broadcast %jit3A_491 : i32 to vector<16xi32>
        %select_n3A_494 = arith.select %eq3A_489, %broadcast_in_dim3A_492, %broadcast_in_dim3A_493 : vector<16xi1>, vector<16xi32>
        %add3A_495 = arith.addi %add3A_479, %select_n3A_494 : vector<16xi32>
        %shift_right_arithmetic3A_496 = arith.constant 8 : i32
        %shift_right_arithmetic3A_497 = vector.broadcast %shift_right_arithmetic3A_496 : i32 to vector<16xi32>
        %shift_right_arithmetic3A_498 = arith.shrsi %select_n3A_483, %shift_right_arithmetic3A_497 : vector<16xi32>
        %select_n3A_499 = arith.select %eq3A_489, %shift_right_arithmetic3A_498, %select_n3A_483 : vector<16xi1>, vector<16xi32>
        %and3A_500 = arith.constant 15 : i32
        %and3A_501 = vector.broadcast %and3A_500 : i32 to vector<16xi32>
        %and3A_502 = arith.andi %select_n3A_499, %and3A_501 : vector<16xi32>
        %eq3A_503 = arith.constant 0 : i32
        %eq3A_504 = vector.broadcast %eq3A_503 : i32 to vector<16xi32>
        %eq3A_505 = arith.cmpi eq, %and3A_502, %eq3A_504 : vector<16xi32>
        %jit3A_506 = arith.constant 4 : i32
        %jit3A_507 = arith.constant 0 : i32
        %broadcast_in_dim3A_508 = vector.broadcast %jit3A_506 : i32 to vector<16xi32>
        %broadcast_in_dim3A_509 = vector.broadcast %jit3A_507 : i32 to vector<16xi32>
        %select_n3A_510 = arith.select %eq3A_505, %broadcast_in_dim3A_508, %broadcast_in_dim3A_509 : vector<16xi1>, vector<16xi32>
        %add3A_511 = arith.addi %add3A_495, %select_n3A_510 : vector<16xi32>
        %shift_right_arithmetic3A_512 = arith.constant 4 : i32
        %shift_right_arithmetic3A_513 = vector.broadcast %shift_right_arithmetic3A_512 : i32 to vector<16xi32>
        %shift_right_arithmetic3A_514 = arith.shrsi %select_n3A_499, %shift_right_arithmetic3A_513 : vector<16xi32>
        %select_n3A_515 = arith.select %eq3A_505, %shift_right_arithmetic3A_514, %select_n3A_499 : vector<16xi1>, vector<16xi32>
        %and3A_516 = arith.constant 3 : i32
        %and3A_517 = vector.broadcast %and3A_516 : i32 to vector<16xi32>
        %and3A_518 = arith.andi %select_n3A_515, %and3A_517 : vector<16xi32>
        %eq3A_519 = arith.constant 0 : i32
        %eq3A_520 = vector.broadcast %eq3A_519 : i32 to vector<16xi32>
        %eq3A_521 = arith.cmpi eq, %and3A_518, %eq3A_520 : vector<16xi32>
        %jit3A_522 = arith.constant 2 : i32
        %jit3A_523 = arith.constant 0 : i32
        %broadcast_in_dim3A_524 = vector.broadcast %jit3A_522 : i32 to vector<16xi32>
        %broadcast_in_dim3A_525 = vector.broadcast %jit3A_523 : i32 to vector<16xi32>
        %select_n3A_526 = arith.select %eq3A_521, %broadcast_in_dim3A_524, %broadcast_in_dim3A_525 : vector<16xi1>, vector<16xi32>
        %add3A_527 = arith.addi %add3A_511, %select_n3A_526 : vector<16xi32>
        %shift_right_arithmetic3A_528 = arith.constant 2 : i32
        %shift_right_arithmetic3A_529 = vector.broadcast %shift_right_arithmetic3A_528 : i32 to vector<16xi32>
        %shift_right_arithmetic3A_530 = arith.shrsi %select_n3A_515, %shift_right_arithmetic3A_529 : vector<16xi32>
        %select_n3A_531 = arith.select %eq3A_521, %shift_right_arithmetic3A_530, %select_n3A_515 : vector<16xi1>, vector<16xi32>
        %and3A_532 = arith.constant 1 : i32
        %and3A_533 = vector.broadcast %and3A_532 : i32 to vector<16xi32>
        %and3A_534 = arith.andi %select_n3A_531, %and3A_533 : vector<16xi32>
        %eq3A_535 = arith.constant 0 : i32
        %eq3A_536 = vector.broadcast %eq3A_535 : i32 to vector<16xi32>
        %eq3A_537 = arith.cmpi eq, %and3A_534, %eq3A_536 : vector<16xi32>
        %jit3A_538 = arith.constant 1 : i32
        %jit3A_539 = arith.constant 0 : i32
        %broadcast_in_dim3A_540 = vector.broadcast %jit3A_538 : i32 to vector<16xi32>
        %broadcast_in_dim3A_541 = vector.broadcast %jit3A_539 : i32 to vector<16xi32>
        %select_n3A_542 = arith.select %eq3A_537, %broadcast_in_dim3A_540, %broadcast_in_dim3A_541 : vector<16xi1>, vector<16xi32>
        %add3A_543 = arith.addi %add3A_527, %select_n3A_542 : vector<16xi32>
        %shift_right_arithmetic3A_544 = arith.constant 1 : i32
        %shift_right_arithmetic3A_545 = vector.broadcast %shift_right_arithmetic3A_544 : i32 to vector<16xi32>
        %shift_right_arithmetic3A_546 = arith.shrsi %select_n3A_531, %shift_right_arithmetic3A_545 : vector<16xi32>
        %select_n3A_547 = arith.select %eq3A_537, %shift_right_arithmetic3A_546, %select_n3A_531 : vector<16xi1>, vector<16xi32>
        %select_n3A_548 = arith.select %eq3A_376, %add3A_465, %add3A_543 : vector<16xi1>, vector<16xi32>
        %jit3A_549 = arith.constant 64 : i32
        %broadcast_in_dim3A_550 = vector.broadcast %jit3A_549 : i32 to vector<16xi32>
        %select_n3A_551 = arith.select %and3A_380, %broadcast_in_dim3A_550, %select_n3A_548 : vector<16xi1>, vector<16xi32>
        %broadcast_in_dim3A_552 = arith.constant 0 : i32
        %broadcast_in_dim3A_553 = vector.broadcast %broadcast_in_dim3A_552 : i32 to vector<16xi32>
        %and3A_554 = arith.constant -65536 : i32
        %and3A_555 = vector.broadcast %and3A_554 : i32 to vector<16xi32>
        %and3A_556 = arith.andi %get3A_25, %and3A_555 : vector<16xi32>
        %ne3A_557 = arith.constant 0 : i32
        %ne3A_558 = vector.broadcast %ne3A_557 : i32 to vector<16xi32>
        %ne3A_559 = arith.cmpi ne, %and3A_556, %ne3A_558 : vector<16xi32>
        %jit3A_560 = arith.constant 16 : i32
        %jit3A_561 = arith.constant 0 : i32
        %broadcast_in_dim3A_562 = vector.broadcast %jit3A_560 : i32 to vector<16xi32>
        %broadcast_in_dim3A_563 = vector.broadcast %jit3A_561 : i32 to vector<16xi32>
        %select_n3A_564 = arith.select %ne3A_559, %broadcast_in_dim3A_562, %broadcast_in_dim3A_563 : vector<16xi1>, vector<16xi32>
        %add3A_565 = arith.addi %broadcast_in_dim3A_553, %select_n3A_564 : vector<16xi32>
        %shift_right_arithmetic3A_566 = arith.constant 16 : i32
        %shift_right_arithmetic3A_567 = vector.broadcast %shift_right_arithmetic3A_566 : i32 to vector<16xi32>
        %shift_right_arithmetic3A_568 = arith.shrsi %get3A_25, %shift_right_arithmetic3A_567 : vector<16xi32>
        %select_n3A_569 = arith.select %ne3A_559, %shift_right_arithmetic3A_568, %get3A_25 : vector<16xi1>, vector<16xi32>
        %and3A_570 = arith.constant 65280 : i32
        %and3A_571 = vector.broadcast %and3A_570 : i32 to vector<16xi32>
        %and3A_572 = arith.andi %select_n3A_569, %and3A_571 : vector<16xi32>
        %ne3A_573 = arith.constant 0 : i32
        %ne3A_574 = vector.broadcast %ne3A_573 : i32 to vector<16xi32>
        %ne3A_575 = arith.cmpi ne, %and3A_572, %ne3A_574 : vector<16xi32>
        %jit3A_576 = arith.constant 8 : i32
        %jit3A_577 = arith.constant 0 : i32
        %broadcast_in_dim3A_578 = vector.broadcast %jit3A_576 : i32 to vector<16xi32>
        %broadcast_in_dim3A_579 = vector.broadcast %jit3A_577 : i32 to vector<16xi32>
        %select_n3A_580 = arith.select %ne3A_575, %broadcast_in_dim3A_578, %broadcast_in_dim3A_579 : vector<16xi1>, vector<16xi32>
        %add3A_581 = arith.addi %add3A_565, %select_n3A_580 : vector<16xi32>
        %shift_right_arithmetic3A_582 = arith.constant 8 : i32
        %shift_right_arithmetic3A_583 = vector.broadcast %shift_right_arithmetic3A_582 : i32 to vector<16xi32>
        %shift_right_arithmetic3A_584 = arith.shrsi %select_n3A_569, %shift_right_arithmetic3A_583 : vector<16xi32>
        %select_n3A_585 = arith.select %ne3A_575, %shift_right_arithmetic3A_584, %select_n3A_569 : vector<16xi1>, vector<16xi32>
        %and3A_586 = arith.constant 240 : i32
        %and3A_587 = vector.broadcast %and3A_586 : i32 to vector<16xi32>
        %and3A_588 = arith.andi %select_n3A_585, %and3A_587 : vector<16xi32>
        %ne3A_589 = arith.constant 0 : i32
        %ne3A_590 = vector.broadcast %ne3A_589 : i32 to vector<16xi32>
        %ne3A_591 = arith.cmpi ne, %and3A_588, %ne3A_590 : vector<16xi32>
        %jit3A_592 = arith.constant 4 : i32
        %jit3A_593 = arith.constant 0 : i32
        %broadcast_in_dim3A_594 = vector.broadcast %jit3A_592 : i32 to vector<16xi32>
        %broadcast_in_dim3A_595 = vector.broadcast %jit3A_593 : i32 to vector<16xi32>
        %select_n3A_596 = arith.select %ne3A_591, %broadcast_in_dim3A_594, %broadcast_in_dim3A_595 : vector<16xi1>, vector<16xi32>
        %add3A_597 = arith.addi %add3A_581, %select_n3A_596 : vector<16xi32>
        %shift_right_arithmetic3A_598 = arith.constant 4 : i32
        %shift_right_arithmetic3A_599 = vector.broadcast %shift_right_arithmetic3A_598 : i32 to vector<16xi32>
        %shift_right_arithmetic3A_600 = arith.shrsi %select_n3A_585, %shift_right_arithmetic3A_599 : vector<16xi32>
        %select_n3A_601 = arith.select %ne3A_591, %shift_right_arithmetic3A_600, %select_n3A_585 : vector<16xi1>, vector<16xi32>
        %and3A_602 = arith.constant 12 : i32
        %and3A_603 = vector.broadcast %and3A_602 : i32 to vector<16xi32>
        %and3A_604 = arith.andi %select_n3A_601, %and3A_603 : vector<16xi32>
        %ne3A_605 = arith.constant 0 : i32
        %ne3A_606 = vector.broadcast %ne3A_605 : i32 to vector<16xi32>
        %ne3A_607 = arith.cmpi ne, %and3A_604, %ne3A_606 : vector<16xi32>
        %jit3A_608 = arith.constant 2 : i32
        %jit3A_609 = arith.constant 0 : i32
        %broadcast_in_dim3A_610 = vector.broadcast %jit3A_608 : i32 to vector<16xi32>
        %broadcast_in_dim3A_611 = vector.broadcast %jit3A_609 : i32 to vector<16xi32>
        %select_n3A_612 = arith.select %ne3A_607, %broadcast_in_dim3A_610, %broadcast_in_dim3A_611 : vector<16xi1>, vector<16xi32>
        %add3A_613 = arith.addi %add3A_597, %select_n3A_612 : vector<16xi32>
        %shift_right_arithmetic3A_614 = arith.constant 2 : i32
        %shift_right_arithmetic3A_615 = vector.broadcast %shift_right_arithmetic3A_614 : i32 to vector<16xi32>
        %shift_right_arithmetic3A_616 = arith.shrsi %select_n3A_601, %shift_right_arithmetic3A_615 : vector<16xi32>
        %select_n3A_617 = arith.select %ne3A_607, %shift_right_arithmetic3A_616, %select_n3A_601 : vector<16xi1>, vector<16xi32>
        %and3A_618 = arith.constant 2 : i32
        %and3A_619 = vector.broadcast %and3A_618 : i32 to vector<16xi32>
        %and3A_620 = arith.andi %select_n3A_617, %and3A_619 : vector<16xi32>
        %ne3A_621 = arith.constant 0 : i32
        %ne3A_622 = vector.broadcast %ne3A_621 : i32 to vector<16xi32>
        %ne3A_623 = arith.cmpi ne, %and3A_620, %ne3A_622 : vector<16xi32>
        %jit3A_624 = arith.constant 1 : i32
        %jit3A_625 = arith.constant 0 : i32
        %broadcast_in_dim3A_626 = vector.broadcast %jit3A_624 : i32 to vector<16xi32>
        %broadcast_in_dim3A_627 = vector.broadcast %jit3A_625 : i32 to vector<16xi32>
        %select_n3A_628 = arith.select %ne3A_623, %broadcast_in_dim3A_626, %broadcast_in_dim3A_627 : vector<16xi1>, vector<16xi32>
        %add3A_629 = arith.addi %add3A_613, %select_n3A_628 : vector<16xi32>
        %shift_right_arithmetic3A_630 = arith.constant 1 : i32
        %shift_right_arithmetic3A_631 = vector.broadcast %shift_right_arithmetic3A_630 : i32 to vector<16xi32>
        %shift_right_arithmetic3A_632 = arith.shrsi %select_n3A_617, %shift_right_arithmetic3A_631 : vector<16xi32>
        %select_n3A_633 = arith.select %ne3A_623, %shift_right_arithmetic3A_632, %select_n3A_617 : vector<16xi1>, vector<16xi32>
        %broadcast_in_dim3A_634 = arith.constant 0 : i32
        %broadcast_in_dim3A_635 = vector.broadcast %broadcast_in_dim3A_634 : i32 to vector<16xi32>
        %and3A_636 = arith.constant -65536 : i32
        %and3A_637 = vector.broadcast %and3A_636 : i32 to vector<16xi32>
        %and3A_638 = arith.andi %get3A_29, %and3A_637 : vector<16xi32>
        %ne3A_639 = arith.constant 0 : i32
        %ne3A_640 = vector.broadcast %ne3A_639 : i32 to vector<16xi32>
        %ne3A_641 = arith.cmpi ne, %and3A_638, %ne3A_640 : vector<16xi32>
        %jit3A_642 = arith.constant 16 : i32
        %jit3A_643 = arith.constant 0 : i32
        %broadcast_in_dim3A_644 = vector.broadcast %jit3A_642 : i32 to vector<16xi32>
        %broadcast_in_dim3A_645 = vector.broadcast %jit3A_643 : i32 to vector<16xi32>
        %select_n3A_646 = arith.select %ne3A_641, %broadcast_in_dim3A_644, %broadcast_in_dim3A_645 : vector<16xi1>, vector<16xi32>
        %add3A_647 = arith.addi %broadcast_in_dim3A_635, %select_n3A_646 : vector<16xi32>
        %shift_right_arithmetic3A_648 = arith.constant 16 : i32
        %shift_right_arithmetic3A_649 = vector.broadcast %shift_right_arithmetic3A_648 : i32 to vector<16xi32>
        %shift_right_arithmetic3A_650 = arith.shrsi %get3A_29, %shift_right_arithmetic3A_649 : vector<16xi32>
        %select_n3A_651 = arith.select %ne3A_641, %shift_right_arithmetic3A_650, %get3A_29 : vector<16xi1>, vector<16xi32>
        %and3A_652 = arith.constant 65280 : i32
        %and3A_653 = vector.broadcast %and3A_652 : i32 to vector<16xi32>
        %and3A_654 = arith.andi %select_n3A_651, %and3A_653 : vector<16xi32>
        %ne3A_655 = arith.constant 0 : i32
        %ne3A_656 = vector.broadcast %ne3A_655 : i32 to vector<16xi32>
        %ne3A_657 = arith.cmpi ne, %and3A_654, %ne3A_656 : vector<16xi32>
        %jit3A_658 = arith.constant 8 : i32
        %jit3A_659 = arith.constant 0 : i32
        %broadcast_in_dim3A_660 = vector.broadcast %jit3A_658 : i32 to vector<16xi32>
        %broadcast_in_dim3A_661 = vector.broadcast %jit3A_659 : i32 to vector<16xi32>
        %select_n3A_662 = arith.select %ne3A_657, %broadcast_in_dim3A_660, %broadcast_in_dim3A_661 : vector<16xi1>, vector<16xi32>
        %add3A_663 = arith.addi %add3A_647, %select_n3A_662 : vector<16xi32>
        %shift_right_arithmetic3A_664 = arith.constant 8 : i32
        %shift_right_arithmetic3A_665 = vector.broadcast %shift_right_arithmetic3A_664 : i32 to vector<16xi32>
        %shift_right_arithmetic3A_666 = arith.shrsi %select_n3A_651, %shift_right_arithmetic3A_665 : vector<16xi32>
        %select_n3A_667 = arith.select %ne3A_657, %shift_right_arithmetic3A_666, %select_n3A_651 : vector<16xi1>, vector<16xi32>
        %and3A_668 = arith.constant 240 : i32
        %and3A_669 = vector.broadcast %and3A_668 : i32 to vector<16xi32>
        %and3A_670 = arith.andi %select_n3A_667, %and3A_669 : vector<16xi32>
        %ne3A_671 = arith.constant 0 : i32
        %ne3A_672 = vector.broadcast %ne3A_671 : i32 to vector<16xi32>
        %ne3A_673 = arith.cmpi ne, %and3A_670, %ne3A_672 : vector<16xi32>
        %jit3A_674 = arith.constant 4 : i32
        %jit3A_675 = arith.constant 0 : i32
        %broadcast_in_dim3A_676 = vector.broadcast %jit3A_674 : i32 to vector<16xi32>
        %broadcast_in_dim3A_677 = vector.broadcast %jit3A_675 : i32 to vector<16xi32>
        %select_n3A_678 = arith.select %ne3A_673, %broadcast_in_dim3A_676, %broadcast_in_dim3A_677 : vector<16xi1>, vector<16xi32>
        %add3A_679 = arith.addi %add3A_663, %select_n3A_678 : vector<16xi32>
        %shift_right_arithmetic3A_680 = arith.constant 4 : i32
        %shift_right_arithmetic3A_681 = vector.broadcast %shift_right_arithmetic3A_680 : i32 to vector<16xi32>
        %shift_right_arithmetic3A_682 = arith.shrsi %select_n3A_667, %shift_right_arithmetic3A_681 : vector<16xi32>
        %select_n3A_683 = arith.select %ne3A_673, %shift_right_arithmetic3A_682, %select_n3A_667 : vector<16xi1>, vector<16xi32>
        %and3A_684 = arith.constant 12 : i32
        %and3A_685 = vector.broadcast %and3A_684 : i32 to vector<16xi32>
        %and3A_686 = arith.andi %select_n3A_683, %and3A_685 : vector<16xi32>
        %ne3A_687 = arith.constant 0 : i32
        %ne3A_688 = vector.broadcast %ne3A_687 : i32 to vector<16xi32>
        %ne3A_689 = arith.cmpi ne, %and3A_686, %ne3A_688 : vector<16xi32>
        %jit3A_690 = arith.constant 2 : i32
        %jit3A_691 = arith.constant 0 : i32
        %broadcast_in_dim3A_692 = vector.broadcast %jit3A_690 : i32 to vector<16xi32>
        %broadcast_in_dim3A_693 = vector.broadcast %jit3A_691 : i32 to vector<16xi32>
        %select_n3A_694 = arith.select %ne3A_689, %broadcast_in_dim3A_692, %broadcast_in_dim3A_693 : vector<16xi1>, vector<16xi32>
        %add3A_695 = arith.addi %add3A_679, %select_n3A_694 : vector<16xi32>
        %shift_right_arithmetic3A_696 = arith.constant 2 : i32
        %shift_right_arithmetic3A_697 = vector.broadcast %shift_right_arithmetic3A_696 : i32 to vector<16xi32>
        %shift_right_arithmetic3A_698 = arith.shrsi %select_n3A_683, %shift_right_arithmetic3A_697 : vector<16xi32>
        %select_n3A_699 = arith.select %ne3A_689, %shift_right_arithmetic3A_698, %select_n3A_683 : vector<16xi1>, vector<16xi32>
        %and3A_700 = arith.constant 2 : i32
        %and3A_701 = vector.broadcast %and3A_700 : i32 to vector<16xi32>
        %and3A_702 = arith.andi %select_n3A_699, %and3A_701 : vector<16xi32>
        %ne3A_703 = arith.constant 0 : i32
        %ne3A_704 = vector.broadcast %ne3A_703 : i32 to vector<16xi32>
        %ne3A_705 = arith.cmpi ne, %and3A_702, %ne3A_704 : vector<16xi32>
        %jit3A_706 = arith.constant 1 : i32
        %jit3A_707 = arith.constant 0 : i32
        %broadcast_in_dim3A_708 = vector.broadcast %jit3A_706 : i32 to vector<16xi32>
        %broadcast_in_dim3A_709 = vector.broadcast %jit3A_707 : i32 to vector<16xi32>
        %select_n3A_710 = arith.select %ne3A_705, %broadcast_in_dim3A_708, %broadcast_in_dim3A_709 : vector<16xi1>, vector<16xi32>
        %add3A_711 = arith.addi %add3A_695, %select_n3A_710 : vector<16xi32>
        %shift_right_arithmetic3A_712 = arith.constant 1 : i32
        %shift_right_arithmetic3A_713 = vector.broadcast %shift_right_arithmetic3A_712 : i32 to vector<16xi32>
        %shift_right_arithmetic3A_714 = arith.shrsi %select_n3A_699, %shift_right_arithmetic3A_713 : vector<16xi32>
        %select_n3A_715 = arith.select %ne3A_705, %shift_right_arithmetic3A_714, %select_n3A_699 : vector<16xi1>, vector<16xi32>
        %add3A_716 = arith.constant 32 : i32
        %add3A_717 = vector.broadcast %add3A_716 : i32 to vector<16xi32>
        %add3A_718 = arith.addi %add3A_717, %add3A_711 : vector<16xi32>
        %select_n3A_719 = arith.select %eq3A_379, %add3A_629, %add3A_718 : vector<16xi1>, vector<16xi32>
        %jit3A_720 = arith.constant -1 : i32
        %broadcast_in_dim3A_721 = vector.broadcast %jit3A_720 : i32 to vector<16xi32>
        %select_n3A_722 = arith.select %and3A_380, %broadcast_in_dim3A_721, %select_n3A_719 : vector<16xi1>, vector<16xi32>
        %convert_element_type3A_723 = arith.sitofp %select_n3A_551 : vector<16xi32> to vector<16xf32>
        %convert_element_type3A_724 = arith.sitofp %select_n3A_722 : vector<16xi32> to vector<16xf32>
        %swap3A = arith.constant 0 : i32
        %swap3A_725 = arith.constant 0 : i32
        %swap3A_726 = arith.index_cast %swap3A : i32 to index
        %swap3A_727 = arith.index_cast %swap3A_725 : i32 to index
        %swap3A_728 = arith.index_cast %multiple_of3A : i32 to index
        %swap3A_729 = tpu.vector_load %arg5[%swap3A_726, %swap3A_727, %swap3A_728] {strides = array<i32>} : memref<2x2x256xf32, #tpu.memory_space<vmem>>, vector<16xf32>,
        tpu.vector_store %arg5[%swap3A_726, %swap3A_727, %swap3A_728], %convert_element_type3A_723 {strides = array<i32>} : memref<2x2x256xf32, #tpu.memory_space<vmem>>, vector<16xf32>,
        %swap3A_730 = arith.constant 0 : i32
        %swap3A_731 = arith.constant 1 : i32
        %swap3A_732 = arith.index_cast %swap3A_730 : i32 to index
        %swap3A_733 = arith.index_cast %swap3A_731 : i32 to index
        %swap3A_734 = arith.index_cast %multiple_of3A : i32 to index
        %swap3A_735 = tpu.vector_load %arg5[%swap3A_732, %swap3A_733, %swap3A_734] {strides = array<i32>} : memref<2x2x256xf32, #tpu.memory_space<vmem>>, vector<16xf32>,
        tpu.vector_store %arg5[%swap3A_732, %swap3A_733, %swap3A_734], %convert_element_type3A_372 {strides = array<i32>} : memref<2x2x256xf32, #tpu.memory_space<vmem>>, vector<16xf32>,
        %swap3A_736 = arith.constant 1 : i32
        %swap3A_737 = arith.constant 0 : i32
        %swap3A_738 = arith.index_cast %swap3A_736 : i32 to index
        %swap3A_739 = arith.index_cast %swap3A_737 : i32 to index
        %swap3A_740 = arith.index_cast %multiple_of3A : i32 to index
        %swap3A_741 = tpu.vector_load %arg5[%swap3A_738, %swap3A_739, %swap3A_740] {strides = array<i32>} : memref<2x2x256xf32, #tpu.memory_space<vmem>>, vector<16xf32>,
        tpu.vector_store %arg5[%swap3A_738, %swap3A_739, %swap3A_740], %convert_element_type3A_724 {strides = array<i32>} : memref<2x2x256xf32, #tpu.memory_space<vmem>>, vector<16xf32>,
        %swap3A_742 = arith.constant 1 : i32
        %swap3A_743 = arith.constant 1 : i32
        %swap3A_744 = arith.index_cast %swap3A_742 : i32 to index
        %swap3A_745 = arith.index_cast %swap3A_743 : i32 to index
        %swap3A_746 = arith.index_cast %multiple_of3A : i32 to index
        %swap3A_747 = tpu.vector_load %arg5[%swap3A_744, %swap3A_745, %swap3A_746] {strides = array<i32>} : memref<2x2x256xf32, #tpu.memory_space<vmem>>, vector<16xf32>,
        tpu.vector_store %arg5[%swap3A_744, %swap3A_745, %swap3A_746], %convert_element_type3A_373 {strides = array<i32>} : memref<2x2x256xf32, #tpu.memory_space<vmem>>, vector<16xf32>,
        %scan3A_748 = arith.constant 0 : i32
        scf.yield %scan3A_748 : i32
      }
      %scan3A_10 = arith.constant 16 : i32
      "tpu.region"() ({
        %run_scoped3A = tpu.sem_alloc : memref<!tpu.dma_semaphore, #tpu.memory_space<semaphore_mem>>
        %dma_start3A = arith.constant 0 : i32
        %dma_start3A_11 = arith.constant 0 : i32
        %dma_start3A_12 = tpu.memref_slice %arg3[%dma_start3A, %dma_start3A_11, %mul3A_4] : memref<2x2x5120xf32, #tpu.memory_space<hbm>> -> memref<2x2x256xf32, #tpu.memory_space<hbm>>
        %dma_start3A_13 = arith.constant 0 : i32
        %dma_start3A_14 = arith.constant 0 : i32
        %dma_start3A_15 = tpu.memref_slice %arg3[%dma_start3A_13, %dma_start3A_14, %mul3A_4] : memref<2x2x5120xf32, #tpu.memory_space<hbm>> -> memref<2x2x256xf32, #tpu.memory_space<hbm>>
        tpu.enqueue_dma source(%arg5 : memref<2x2x256xf32, #tpu.memory_space<vmem>>) target(%dma_start3A_15 : memref<2x2x256xf32, #tpu.memory_space<hbm>>) target_semaphore(%run_scoped3A : memref<!tpu.dma_semaphore, #tpu.memory_space<semaphore_mem>>)
        %dma_wait3A = arith.constant 0 : i32
        %dma_wait3A_16 = arith.constant 0 : i32
        %dma_wait3A_17 = tpu.memref_slice %arg3[%dma_wait3A, %dma_wait3A_16, %mul3A_4] : memref<2x2x5120xf32, #tpu.memory_space<hbm>> -> memref<2x2x256xf32, #tpu.memory_space<hbm>>
        %dma_wait3A_18 = arith.constant 0 : i32
        %dma_wait3A_19 = arith.constant 0 : i32
        %dma_wait3A_20 = tpu.memref_slice %arg3[%dma_wait3A_18, %dma_wait3A_19, %mul3A_4] : memref<2x2x5120xf32, #tpu.memory_space<hbm>> -> memref<2x2x256xf32, #tpu.memory_space<hbm>>
        tpu.wait_dma2 semaphore(%run_scoped3A : memref<!tpu.dma_semaphore, #tpu.memory_space<semaphore_mem>>) src(%arg5 : memref<2x2x256xf32, #tpu.memory_space<vmem>>) dst(%dma_wait3A_20 : memref<2x2x256xf32, #tpu.memory_space<hbm>>)
        tpu.yield
      }) : () -> ()
    } else {
    }
    return
  }
}

module attributes {stable_mosaic.version = 14 : i64} {
  func.func @_tc_body(%arg0: i32, %arg1: memref<64x64x512xf32, #tpu.memory_space<vmem>>, %arg2: memref<64x64x512xf32, #tpu.memory_space<vmem>>, %arg3: memref<8x512xi32, #tpu.memory_space<vmem>>) attributes {dimension_semantics = [#tpu.dimension_semantics<arbitrary>], iteration_bounds = array<i64: 10>, scalar_prefetch = 0 : i64, scratch_operands = 0 : i64, tpu.core_type = #tpu.core_type<tc>, window_params = [{transform_indices = @transform_0, window_bounds = array<i64: 64, 64, 512>}, {transform_indices = @transform_1, window_bounds = array<i64: 64, 64, 512>}, {transform_indices = @transform_2, window_bounds = array<i64: 8, 512>}]} {
    %get3A = arith.constant 0 : index
    %get3A_0 = arith.constant 0 : index
    %get3A_1 = arith.constant 0 : index
    %get3A_2 = vector.load %arg1[%get3A, %get3A_0, %get3A_1] : memref<64x64x512xf32, #tpu.memory_space<vmem>>, vector<64x64x512xf32>
    %swap3A = arith.constant 0 : index
    %swap3A_3 = arith.constant 0 : index
    %swap3A_4 = arith.constant 0 : index
    %swap3A_5 = vector.load %arg2[%swap3A, %swap3A_3, %swap3A_4] : memref<64x64x512xf32, #tpu.memory_space<vmem>>, vector<64x64x512xf32>
    tpu.vector_store %arg2[%swap3A, %swap3A_3, %swap3A_4], %get3A_2 {strides = array<i32>} : memref<64x64x512xf32, #tpu.memory_space<vmem>>, vector<64x64x512xf32>,
    %reduce_max3A = arith.constant dense<0xFF800000> : vector<64x512xf32>
    %reduce_max3A_6 = vector.multi_reduction <maximumf>, %get3A_2, %reduce_max3A [1] : vector<64x64x512xf32> to vector<64x512xf32>
    %gt3A = arith.constant 5.000000e-01 : f32
    %gt3A_7 = vector.broadcast %gt3A : f32 to vector<64x512xf32>
    %gt3A_8 = arith.cmpf ogt, %reduce_max3A_6, %gt3A_7 : vector<64x512xf32>
    %reduce_max3A_9 = arith.constant dense<0xFF800000> : vector<64x512xf32>
    %reduce_max3A_10 = vector.multi_reduction <maximumf>, %get3A_2, %reduce_max3A_9 [0] : vector<64x64x512xf32> to vector<64x512xf32>
    %gt3A_11 = arith.constant 5.000000e-01 : f32
    %gt3A_12 = vector.broadcast %gt3A_11 : f32 to vector<64x512xf32>
    %gt3A_13 = arith.cmpf ogt, %reduce_max3A_10, %gt3A_12 : vector<64x512xf32>
    %iota3A = tpu.iota {dimensions = array<i32: 0>} : vector<32x512xi32>
    %shift_left3A = arith.constant 1 : i32
    %shift_left3A_14 = vector.broadcast %shift_left3A : i32 to vector<32x512xi32>
    %shift_left3A_15 = arith.shli %shift_left3A_14, %iota3A : vector<32x512xi32>
    %slice3A = vector.extract_strided_slice %gt3A_8 {offsets = [0, 0], sizes = [32, 512], strides = [1, 1]} : vector<64x512xi1> to vector<32x512xi1>
    %jit3A = arith.constant 0 : i32
    %broadcast_in_dim3A = vector.broadcast %jit3A : i32 to vector<32x512xi32>
    %select_n3A = arith.select %slice3A, %shift_left3A_15, %broadcast_in_dim3A : vector<32x512xi1>, vector<32x512xi32>
    %reduce_sum3A = arith.constant dense<0> : vector<512xi32>
    %reduce_sum3A_16 = vector.multi_reduction <add>, %select_n3A, %reduce_sum3A [0] : vector<32x512xi32> to vector<512xi32>
    %slice3A_17 = vector.extract_strided_slice %gt3A_8 {offsets = [32, 0], sizes = [32, 512], strides = [1, 1]} : vector<64x512xi1> to vector<32x512xi1>
    %jit3A_18 = arith.constant 0 : i32
    %broadcast_in_dim3A_19 = vector.broadcast %jit3A_18 : i32 to vector<32x512xi32>
    %select_n3A_20 = arith.select %slice3A_17, %shift_left3A_15, %broadcast_in_dim3A_19 : vector<32x512xi1>, vector<32x512xi32>
    %reduce_sum3A_21 = arith.constant dense<0> : vector<512xi32>
    %reduce_sum3A_22 = vector.multi_reduction <add>, %select_n3A_20, %reduce_sum3A_21 [0] : vector<32x512xi32> to vector<512xi32>
    %slice3A_23 = vector.extract_strided_slice %gt3A_13 {offsets = [0, 0], sizes = [32, 512], strides = [1, 1]} : vector<64x512xi1> to vector<32x512xi1>
    %jit3A_24 = arith.constant 0 : i32
    %broadcast_in_dim3A_25 = vector.broadcast %jit3A_24 : i32 to vector<32x512xi32>
    %select_n3A_26 = arith.select %slice3A_23, %shift_left3A_15, %broadcast_in_dim3A_25 : vector<32x512xi1>, vector<32x512xi32>
    %reduce_sum3A_27 = arith.constant dense<0> : vector<512xi32>
    %reduce_sum3A_28 = vector.multi_reduction <add>, %select_n3A_26, %reduce_sum3A_27 [0] : vector<32x512xi32> to vector<512xi32>
    %slice3A_29 = vector.extract_strided_slice %gt3A_13 {offsets = [32, 0], sizes = [32, 512], strides = [1, 1]} : vector<64x512xi1> to vector<32x512xi1>
    %jit3A_30 = arith.constant 0 : i32
    %broadcast_in_dim3A_31 = vector.broadcast %jit3A_30 : i32 to vector<32x512xi32>
    %select_n3A_32 = arith.select %slice3A_29, %shift_left3A_15, %broadcast_in_dim3A_31 : vector<32x512xi1>, vector<32x512xi32>
    %reduce_sum3A_33 = arith.constant dense<0> : vector<512xi32>
    %reduce_sum3A_34 = vector.multi_reduction <add>, %select_n3A_32, %reduce_sum3A_33 [0] : vector<32x512xi32> to vector<512xi32>
    %broadcast_in_dim3A_35 = arith.constant 0 : i32
    %broadcast_in_dim3A_36 = vector.broadcast %broadcast_in_dim3A_35 : i32 to vector<512xi32>
    %stack3A = vector.shape_cast %reduce_sum3A_16 : vector<512xi32> to vector<1x512xi32>
    %stack3A_37 = vector.shape_cast %reduce_sum3A_22 : vector<512xi32> to vector<1x512xi32>
    %stack3A_38 = vector.shape_cast %reduce_sum3A_28 : vector<512xi32> to vector<1x512xi32>
    %stack3A_39 = vector.shape_cast %reduce_sum3A_34 : vector<512xi32> to vector<1x512xi32>
    %stack3A_40 = vector.shape_cast %broadcast_in_dim3A_36 : vector<512xi32> to vector<1x512xi32>
    %stack3A_41 = vector.shape_cast %broadcast_in_dim3A_36 : vector<512xi32> to vector<1x512xi32>
    %stack3A_42 = vector.shape_cast %broadcast_in_dim3A_36 : vector<512xi32> to vector<1x512xi32>
    %stack3A_43 = vector.shape_cast %broadcast_in_dim3A_36 : vector<512xi32> to vector<1x512xi32>
    %stack3A_44 = tpu.concatenate %stack3A, %stack3A_37, %stack3A_38, %stack3A_39, %stack3A_40, %stack3A_41, %stack3A_42, %stack3A_43 in 0 : vector<1x512xi32>, vector<1x512xi32>, vector<1x512xi32>, vector<1x512xi32>, vector<1x512xi32>, vector<1x512xi32>, vector<1x512xi32>, vector<1x512xi32> -> vector<8x512xi32>
    %swap3A_45 = arith.constant 0 : index
    %swap3A_46 = arith.constant 0 : index
    %swap3A_47 = vector.load %arg3[%swap3A_45, %swap3A_46] : memref<8x512xi32, #tpu.memory_space<vmem>>, vector<8x512xi32>
    tpu.vector_store %arg3[%swap3A_45, %swap3A_46], %stack3A_44 {strides = array<i32>} : memref<8x512xi32, #tpu.memory_space<vmem>>, vector<8x512xi32>,
    return
  }
  func.func @transform_0(%arg0: i32) -> (i32, i32, i32) {
    %c0_i32 = arith.constant 0 : i32
    %c0_i32_0 = arith.constant 0 : i32
    %c0_i32_1 = arith.constant 0 : i32
    return %c0_i32, %c0_i32_0, %arg0 : i32, i32, i32
  }
  func.func @transform_1(%arg0: i32) -> (i32, i32, i32) {
    %c0_i32 = arith.constant 0 : i32
    %c0_i32_0 = arith.constant 0 : i32
    %c0_i32_1 = arith.constant 0 : i32
    return %c0_i32, %c0_i32_0, %arg0 : i32, i32, i32
  }
  func.func @transform_2(%arg0: i32) -> (i32, i32) {
    %c0_i32 = arith.constant 0 : i32
    %c0_i32_0 = arith.constant 0 : i32
    return %c0_i32, %arg0 : i32, i32
  }
}

</mosaic_0001>

<sc_bundles>
// kernel: kernel.4.cloned.1.call-start
scs
__scs_entry_jumppad:
0x0: {  	(pc) =	sbr.rel $0x88, $3  }
0x1: {  	(tag) =	ssettag $0x0;
	lr =	simm.s32 $0x1  }
0x2: {  	[smem:$0x3FA0] =	sst lr;
	_ =	strace $0xD0000000  }
0x3: {  	_ = 	snop  }
0x4: {  	_ = 	snop  }
0x5: {  	_ = 	snop  }
0x6: {  	_ = 	snop  }
0x7: {  	_ = 	snop  }
__scs_overlays_trampoline_lowered:
0x8: {  	[smem:$0x3FAF] =	sst s0  }
0x9: {  	[smem:$0x3FB0] =	sst s1  }
0xa: {  	[smem:$0x3FB1] =	sst s2  }
0xb: {  	[smem:$0x3FB2] =	sst s3  }
0xc: {  	[smem:$0x3FB3] =	sst s4  }
0xd: {  	[smem:$0x3FB4] =	sst s5  }
0xe: {  	[smem:$0x3FB5] =	sst s6  }
0xf: {  	[smem:$0x3FB6] =	sst s7  }
0x10: {  	[smem:$0x3FB7] =	sst s8  }
0x11: {  	[smem:$0x3FB8] =	sst s9;
	s0 =	simm.s32 @!p0 $0x0  }
0x12: {  	s1 =	sld [smem:$0x3F9E];
	s0 =	simm.s32 @p0 $0x1  }
0x13: {  	[smem:$0x3FB9] =	sst s0;
	s0 =	simm.s32 @!p1 $0x0  }
0x14: {  	s2 =	sld [smem:$0x3F9D];
	s0 =	simm.s32 @p1 $0x1  }
0x15: {  	[smem:$0x3FBA] =	sst s0;
	s0 =	simm.s32 @!p2 $0x0  }
0x16: {  	s3 =	sld [smem:$0x3FDB];
	s0 =	simm.s32 @p2 $0x1  }
0x17: {  	s4 =	simm.s32 $0x1BF5;
	[smem:$0x3FBC] =	sst s0  }
0x18: {  	s0 =	sld [smem:$0x3F9F];
	_ =	swait.ge [sflag:s4], $0x0  }
0x19: {  	s7 =	sld [smem:$0x3FA0]  }
0x1a: {  	s8 =	sadd.s32 $0xFFFFE003, lr  }
0x1b: {  	s9 =	sadd.s32 $0xFFFFFEF7, lr;
	s5 =	simm.s32 $0xFFFFFFFF;
	p2 =	slt.u32 s8, $0xFFFFF086  }
0x1c: {  	p1 =	slt.u32 s9, $0xF7A;
	s5 =	simm.s32 @!p2 $0x0  }
0x1d: {  	s5 =	simm.s32 @p1 $0x1;
	p0 =	seq.s32 s7, s2  }
0x1e: {  	s7 =	smul.u32 @!p0 $0xF7A, s2;
	p2 =	seq.s32 @!p0 s5, $0x0  }
0x1f: {  	s9 =	smul.u32 $0xF7A, s1;
	s8 =	simm.s32 @!p0 $0x1BF5;
	p2 =	por !p2, p0  }
0x20: {  	[sflag:s8] =	ssyncset.s32 @!p0 $0xFFFFF086;
	s6 =	sadd.s32 @!p0 s3, s7;
	s7 =	simm.s32 @!p0 $0x108  }
0x21: {  	s3 =	sadd.s32 s3, s9;
	s6 =	sadd.s32 @!p0 $0x88, s6;
	s7 =	simm.s32 @p2 $0x1082  }
0x22: {  	[simem:s7], [sflag:s8] =	dma.local @!p0 [hbm:s6], $0xF7A  }
0x23: {  	s9 =	sor.u32 $0xD0000000, s2;
	s6 =	simm.s32 $0x108;
	_ =	swait.ge @!p0 [sflag:s8], $0x0  }
0x24: {  	s3 =	sadd.s32 $0x88, s3;
	s6 =	simm.s32 @!p1 $0x1082;
	[sflag:s4] =	ssyncset.s32 $0xFFFFF086  }
0x25: {  	[simem:s6], [sflag:s4] =	dma.local [hbm:s3], $0xF7A  }
0x26: {  	[smem:$0x3FA0] =	sst s1;
	(tag) =	ssettag s2;
	_ =	strace s9  }
0x27: {  	s1 =	sld [smem:$0x3FB0]  }
0x28: {  	s2 =	sld [smem:$0x3FB1]  }
0x29: {  	s4 =	sld [smem:$0x3FB3]  }
0x2a: {  	p0 =	seq.s32 s5, $0x0;
	s5 =	sld [smem:$0x3FB4]  }
0x2b: {  	s6 =	sld [smem:$0x3FB5]  }
0x2c: {  	s7 =	sld [smem:$0x3FB6]  }
0x2d: {  	s3 =	simm.s32 $0x108;
	s8 =	sld [smem:$0x3FB7]  }
0x2e: {  	s3 =	simm.s32 @!p0 $0x1082;
	s9 =	sld [smem:$0x3FB8]  }
0x2f: {  	lr =	sadd.s32 s0, s3;
	s0 =	sld [smem:$0x3FAF]  }
0x30: {  	s3 =	sld [smem:$0x3FB2]  }
0x31: {  	[smem:$0x3FBB] =	sst s10  }
0x32: {  	s10 =	sld [smem:$0x3FB9];
	_ =	sdelay $0x3  }
0x33: {  	p0 =	seq.s32 s10, $0x1;
	s10 =	sld [smem:$0x3FBB];
	_ =	sdelay $0x3  }
0x34: {  	[smem:$0x3FBB] =	sst s10  }
0x35: {  	s10 =	sld [smem:$0x3FBA];
	_ =	sdelay $0x3  }
0x36: {  	p1 =	seq.s32 s10, $0x1;
	s10 =	sld [smem:$0x3FBB];
	_ =	sdelay $0x3  }
0x37: {  	[smem:$0x3FBB] =	sst s10  }
0x38: {  	s10 =	sld [smem:$0x3FBC]  }
0x39: {  	_ = 	snop;
	(pc) =	sbr.ind lr, $3  }
0x3a: {  	_ = 	snop  }
0x3b: {  	_ = 	snop  }
0x3c: {  	p2 =	seq.s32 s10, $0x1;
	s10 =	sld [smem:$0x3FBB]  }
0x3d: {  	_ =	shalt  }
0x3e: {  	_ =	shalt  }
0x3f: {  	_ =	shalt  }
0x40: {  	_ =	shalt  }
0x41: {  	_ =	shalt  }
0x42: {  	_ =	shalt  }
0x43: {  	_ =	shalt  }
0x44: {  	_ =	shalt  }
0x45: {  	_ =	shalt  }
0x46: {  	_ =	shalt  }
0x47: {  	_ =	shalt  }
0x48: {  	_ =	shalt  }
0x49: {  	_ =	shalt  }
0x4a: {  	_ =	shalt  }
0x4b: {  	_ =	shalt  }
0x4c: {  	_ =	shalt  }
0x4d: {  	_ =	shalt  }
0x4e: {  	_ =	shalt  }
0x4f: {  	_ =	shalt  }
0x50: {  	_ =	shalt  }
0x51: {  	_ =	shalt  }
0x52: {  	_ =	shalt  }
0x53: {  	_ =	shalt  }
0x54: {  	_ =	shalt  }
0x55: {  	_ =	shalt  }
0x56: {  	_ =	shalt  }
0x57: {  	_ =	shalt  }
0x58: {  	_ =	shalt  }
0x59: {  	_ =	shalt  }
0x5a: {  	_ =	shalt  }
0x5b: {  	_ =	shalt  }
0x5c: {  	_ =	shalt  }
0x5d: {  	_ =	shalt  }
0x5e: {  	_ =	shalt  }
0x5f: {  	_ =	shalt  }
0x60: {  	_ =	shalt  }
0x61: {  	_ =	shalt  }
0x62: {  	_ =	shalt  }
0x63: {  	_ =	shalt  }
0x64: {  	_ =	shalt  }
0x65: {  	_ =	shalt  }
0x66: {  	_ =	shalt  }
0x67: {  	_ =	shalt  }
0x68: {  	_ =	shalt  }
0x69: {  	_ =	shalt  }
0x6a: {  	_ =	shalt  }
0x6b: {  	_ =	shalt  }
0x6c: {  	_ =	shalt  }
0x6d: {  	_ =	shalt  }
0x6e: {  	_ =	shalt  }
0x6f: {  	_ =	shalt  }
0x70: {  	_ =	shalt  }
0x71: {  	_ =	shalt  }
0x72: {  	_ =	shalt  }
0x73: {  	_ =	shalt  }
0x74: {  	_ =	shalt  }
0x75: {  	_ =	shalt  }
0x76: {  	_ =	shalt  }
0x77: {  	_ =	shalt  }
0x78: {  	_ =	shalt  }
0x79: {  	_ =	shalt  }
0x7a: {  	_ =	shalt  }
0x7b: {  	_ =	shalt  }
0x7c: {  	_ =	shalt  }
0x7d: {  	_ =	shalt  }
0x7e: {  	_ =	shalt  }
0x7f: {  	_ =	shalt  }
0x80: {  	_ =	shalt  }
0x81: {  	_ =	shalt  }
0x82: {  	_ =	shalt  }
0x83: {  	_ =	shalt  }
0x84: {  	_ =	shalt  }
0x85: {  	_ =	shalt  }
0x86: {  	_ =	shalt  }
0x87: {  	_ =	shalt  }
.Lfunc_end0:
.L_simem_size_0:
called_computation_lowered:
.L_overlay_start_0:
0x88: {  	s2 =	sld [smem:$0x3FD9]  }
0x89: {  	s3 =	sld [smem:$0x3FFE];
	_ =	sdelay $0x1  }
0x8a: {  	s1 =	srdreg.scid  }
0x8b: {  	s0 =	sand.u32 $0x1, s1  }
0x8c: {  	s16 =	sshll.u32 s0, $0xA;
	s2 =	sadd.s32 s3, s2  }
0x8d: {  	s2 =	sadd.s32 s2, s16  }
0x8e: {  	[smem:$0x3FC7] =	sst s2  }
0x8f: {  	_ = 	snop  }
0x90: {  	(tm) =	ssettm $0x1  }
0x91: {  	s17 =	sld [smem:$0x3FFB];
	_ =	sdelay $0x3  }
0x92: {  	_ =	strace s17  }
0x93: {  	s2 =	sld [smem:$0x3FFC];
	_ =	sdelay $0x3  }
0x94: {  	_ =	strace s2  }
0x95: {  	s2 =	sld [smem:$0x3FFD];
	_ =	sdelay $0x3  }
0x96: {  	_ =	strace s2  }
0x97: {  	_ =	strace $0x8FFFFFFF  }
0x98: {  	s18 =	sld [smem:$0x3FDB];
	_ =	sdelay $0x1  }
0x99: {  	s19 =	simm.s32 $_scs_section_size  }
0x9a: {  	s4 =	simm.s32 $_size__tile_overlayer_lowered;
	s5 =	simm.s32 $_tile_overlayer_lowered  }
0x9b: {  	s22 =	simm.s32 $0x1BFF;
	s21 =	sshll.u32 s5, $0x1;
	s2 =	sadd.s32 s19, s18  }
0x9c: {  	s6 =	simm.s32 $0x0;
	s20 =	sshll.u32 s4, $0x1;
	s4 =	sadd.s32 s21, s2  }
0x9d: {  	[timem:s6], [sflag:s22] =	dma.local [hbm:s4], s20  }
0x9e: {  	_ =	swait.ge [sflag:s22], s20  }
0x9f: {  	s3 =	ssub.s32 $0x0, s20;
	[sflag:s22] =	ssyncset.done $0x0  }
0xa0: {  	[sflag:s22] =	ssyncadd.s32 s3;
	_ =	sdelay $0x1  }
0xa1: {  	s23 =	simm.s32 $0x1B8B  }
0xa2: {  	_ =	swait.ge [sflag:s23], $0x1  }
0xa3: {  	[sflag:s23] =	ssyncset.done $0x0  }
0xa4: {  	s25 =	simm.s32 $0x1B8E;
	s24 =	sld [smem:$0x3FFE];
	[sflag:s23] =	ssyncadd.s32 $0xFFFFFFFF  }
0xa5: {  	s26 =	simm.s32 $execute0_lowered;
	[smem:$0x3FD2] =	sst s25  }
0xa6: {  	s4 =	sshll.u32 s26, $0x1;
	_ =	strace $0x80000046;
	[dreg:$0x1] =	wrdreg $0xFFFFFFFF  }
0xa7: {  	s28 =	simm.s32 $_size_execute0_lowered;
	s2 =	sadd.s32 s2, s4;
	[dreg:$0x0] =	wrdreg $0x0  }
0xa8: {  	s4 =	sshll.u32 s28, $0x1;
	[dreg:$0x2] =	wrdreg s2  }
0xa9: {  	[dreg:$0x3] =	wrdreg s4  }
0xaa: {  	[dreg:$0x4] =	wrdreg $0xC0  }
0xab: {  	_ =	task [dreg:s6], $0x5FFFF  }
0xac: {  	[dreg:$0x1] =	wrdreg $0xFFFFFFFF  }
0xad: {  	[dreg:$0x0] =	wrdreg $0x60  }
0xae: {  	[dreg:$0x2] =	wrdreg s24  }
0xaf: {  	[dreg:$0x3] =	wrdreg $0x9  }
0xb0: {  	_ =	task.clear_ibuf [dreg:s6], $0x4FFFF;
	_ =	strace $0x90000046  }
0xb1: {  	s29 =	simm.s32 $0x9;
	_ =	strace $0x80000048  }
0xb2: {  	_ =	swait.ge [sflag:s29], $0x1  }
0xb3: {  	[sflag:s29] =	ssyncadd.s32 $0xFFFFFFFF  }
0xb4: {  	_ =	strace $0x90000048  }
0xb5: {  	_ =	sfence  }
0xb6: {  	s30 =	sld [smem:$0x0];
	_ =	sdelay $0x2  }
0xb7: {  	s31 =	sshll.u32 s1, $0xD;
	s1 =	sshrl.u32 s1, $0x2  }
0xb8: {  	s3 =	sand.u32 $0x4000, s31;
	s1 =	sadd.s32 s1, s30  }
0xb9: {  	s0 =	sor.u32 s3, s0;
	s1 =	sshll.u32 s1, $0x11  }
0xba: {  	s0 =	sor.u32 s1, s0  }
0xbb: {  	s0 =	sadd.s32 $0x8F2B, s0  }
0xbc: {  	[sflag:s0] =	ssyncadd.remote.s32 $0x1  }
0xbd: {  	_ =	sfence.sel $0xFFFF  }
0xbe: {  	[dreg:$0x0] =	wrdreg $0xFFFFFFFF;
	(pc) =	sbr.abs _section_cstart, $3  }
0xbf: {  	[dreg:$0x1] =	wrdreg $0xFFFFFFFF  }
0xc0: {  	_ =	task.clear_ibuf [dreg:s6], $0x2FFFF;
	_ =	strace $0x9FFFFFFF  }
0xc1: {  	(tm) =	ssettm $0x7FFFFFFF  }
tec
execute0_lowered:
.L_overlay_start_1:
0x0: {  	(tag) =	ssettag $0x1  }
0x1: {  	s1 =	stileid.u32  }
0x2: {  	p0 =	sgt.u32 s1, $0x9  }
.Ltmp0:
0x3: {  	_ = 	snop;
	(pc) =	sbr.rel @p0 .LBB2_5-.Ltmp0, $4  }
0x4: {  	_ = 	snop  }
0x5: {  	s3 =	rddreg [dreg:$0x0];
	s2 =	simm.s32 $0x0  }
0x6: {  	[smem:$0x7FF] =	sst s2  }
0x7: {  	s0 =	rddreg [dreg:$0x1];
	_ =	strace $0x80000047  }
0x8: {  	s4 =	srdreg.scid  }
0x9: {  	s5 =	sshll.u32 s1, $0x1;
	s4 =	sand.u32 $0x1, s4  }
0xa: {  	s7 =	sadd.s32 $0x800, s3;
	s8 =	simm.s32 $0x2800;
	s5 =	sor.u32 s4, s5  }
0xb: {  	s9 =	simm.s32 $0x800;
	s4 =	ssub.s32 $0x2, s4;
	s6 =	sshll.u32 s5, $0x6  }
0xc: {  	s30 =	sshrl.u32 s4, $0x1;
	s31 =	sshll.u32 s5, $0x8;
	s29 =	sadd.s32 s6, s3  }
0xd: {  	v0 =	vimm.s32 $0x0;
	v1 =	vimm.s32 $0x10;
	v2 =	vimm.s32 $0x8;
	s6 =	ssub.s32 s4, s30;
	s4 =	sadd.s32 s7, s31;
	s7 =	simm.s32 $0x200  }
0xe: {  	v3 =	vimm.s32 $0x4;
	v4 =	vimm.s32 $0x2;
	v5 =	vimm.s32 $0x30;
	s3 =	sadd.s32 $0x1C00, s29;
	s5 =	smax.u32 s6, $0x1;
	s6 =	simm.s32 $0x1  }
.LBB2_2:
0xf: {  	s10 =	simm.s32 $0x0  }
0x10: {  	[tilespmem:s10], [sflag:$0x1] =	stream.linear.gather [hbm4b:s4+s10], $0x800, $0x38;
	[tilespmem:$0xC00] =	vst v63  }
0x11: {  	_ =	swait.ge [sflag:s6], $0x800  }
0x12: {  	[sflag:s6] =	ssyncset.done $0x0  }
0x13: {  	s11 =	simm.s32 $0x0;
	[sflag:s6] =	ssyncadd.s32 $0xFFFFF800  }
.LBB2_3:
0x14: {  	s13 =	sshll.u32 s11, $0x7  }
0x15: {  	s12 =	sand.u32 $0x70, s10;
	s13 =	sand.u32 $0x3FFFFC00, s13  }
0x16: {  	s13 =	sor.u32 s12, s13  }
0x17: {  	v6 =	vld [tilespmem:s13+$0x80]  }
0x18: {  	v7 =	vld [tilespmem:s13+$0x0];
	_ =	sdelay $0x1  }
0x19: {  	v62 =	vld [tilespmem:s13+$0x100];
	_ =	sdelay $0x1  }
0x1a: {  	v8 =	vand.u32 $0xFFFF, v6  }
0x1b: {  	v28 =	vshra.s32 v6, $0x10;
	vm13 =	veq.s32 v7, $0x0;
	v33 =	vand.u32 $0xFFFF, v7  }
0x1c: {  	v34 =	vshra.s32 v7, $0x10;
	vm7 =	vlt.u32 v7, $0x10000;
	vm10 =	vlt.u32 v6, $0x10000  }
0x1d: {  	v27 =	vand.u32 $0xFFFF, v62;
	vm0 =	veq.s32 v8, $0x0;
	vm2 =	veq.s32 v33, $0x0  }
0x1e: {  	v50 =	vsel vm7, $0x0, v1;
	v8 =	vsel vm10, v6, v28;
	v24 =	vsel vm10, $0x20, v5  }
0x1f: {  	v9 =	vsel vm0, v28, v6;
	v11 =	vsel vm0, $0x10, v0;
	v14 =	vsel vm2, v34, v7  }
0x20: {  	v41 =	vsel vm2, $0x10, v0;
	v56 =	vand.u32 $0xFF00, v8;
	v57 =	vshra.s32 v8, $0x8  }
0x21: {  	v28 =	vshra.s32 v62, $0x10;
	v10 =	vand.u32 $0xFF, v9;
	v29 =	vshra.s32 v9, $0x8  }
0x22: {  	v36 =	vand.u32 $0xFF, v14;
	v38 =	vshra.s32 v14, $0x8;
	vm12 =	veq.s32 v56, $0x0  }
0x23: {  	vm1 =	veq.s32 v10, $0x0;
	vm3 =	veq.s32 v36, $0x0;
	v63 =	vsel vm12, $0x0, v2  }
0x24: {  	v12 =	vsel vm1, $0x8, v0;
	v9 =	vsel vm1, v29, v9;
	v42 =	vsel vm3, $0x8, v0  }
0x25: {  	v30 =	vor.u32 v11, v12;
	v31 =	vand.u32 $0xF, v9;
	v32 =	vshra.s32 v9, $0x4  }
0x26: {  	v12 =	vsel vm3, v38, v14;
	v43 =	vor.u32 v41, v42;
	v11 =	vsel vm7, v7, v34  }
0x27: {  	v7 =	vor.u32 v7, v6;
	vm14 =	veq.s32 v31, $0x0;
	v39 =	vand.u32 $0xF, v12  }
0x28: {  	v40 =	vshra.s32 v12, $0x4;
	v48 =	vand.u32 $0xFF00, v11;
	v49 =	vshra.s32 v11, $0x8  }
0x29: {  	v9 =	vsel vm14, v32, v9;
	v35 =	vsel vm14, $0x4, v0;
	vm5 =	veq.s32 v39, $0x0  }
0x2a: {  	v14 =	vld [tilespmem:s13+$0x180];
	vm8 =	veq.s32 v48, $0x0;
	v13 =	vand.u32 $0x3, v9;
	v10 =	vor.u32 v35, v30  }
0x2b: {  	v37 =	vshrl.u32 v9, $0x2;
	v44 =	vsel vm5, $0x4, v0;
	v11 =	vsel vm8, v11, v49  }
0x2c: {  	v51 =	vsel vm8, $0x0, v2;
	vm8 =	veq.s32 v27, $0x0;
	vm15 =	veq.s32 v13, $0x0  }
0x2d: {  	v13 =	vand.u32 $0xF0, v11;
	v52 =	vshra.s32 v11, $0x4;
	v29 =	vsel vm8, v28, v62  }
0x2e: {  	v35 =	vsel vm8, $0x10, v0;
	v15 =	vsel vm15, $0x2, v0;
	v9 =	vsel vm15, v37, v9  }
0x2f: {  	vm9 =	veq.s32 v13, $0x0;
	v60 =	vand.u32 $0xFFFF, v14;
	v61 =	vshra.s32 v14, $0x10  }
0x30: {  	v31 =	vshra.s32 v29, $0x8;
	v10 =	vor.u32 v15, v10;
	v9 =	vand.u32 $0x1, v9  }
0x31: {  	v53 =	vsel vm9, $0x0, v3;
	v11 =	vsel vm9, v11, v52;
	vm14 =	veq.s32 v60, $0x0  }
0x32: {  	v9 =	vor.u32 v9, v10;
	v10 =	vsel vm5, v40, v12;
	v12 =	vor.u32 v44, v43  }
0x33: {  	v13 =	vand.u32 $0xC, v11;
	v54 =	vshrl.u32 v11, $0x2;
	v16 =	vsel vm14, v61, v14  }
0x34: {  	v25 =	vsel vm14, $0x10, v0;
	vm14 =	vlt.u32 v62, $0x10000;
	v45 =	vand.u32 $0x3, v10  }
0x35: {  	v47 =	vshrl.u32 v10, $0x2;
	v9 =	vxor.u32 $0x21, v9;
	vm11 =	veq.s32 v13, $0x0  }
0x36: {  	v13 =	vsel vm12, v8, v57;
	v22 =	vand.u32 $0xFF, v16;
	v23 =	vshra.s32 v16, $0x8  }
0x37: {  	v43 =	vsel vm14, v62, v28;
	v44 =	vsel vm14, $0x0, v1;
	vm14 =	veq.s32 v14, $0x0  }
0x38: {  	vm6 =	veq.s32 v45, $0x0;
	v55 =	vsel vm11, $0x0, v4;
	v11 =	vsel vm11, v11, v54  }
0x39: {  	v58 =	vand.u32 $0xF0, v13;
	v59 =	vshra.s32 v13, $0x4;
	v45 =	vshra.s32 v43, $0x8  }
0x3a: {  	v46 =	vsel vm6, $0x2, v0;
	v10 =	vsel vm6, v47, v10;
	v11 =	vshrl.u32 v11, $0x1  }
0x3b: {  	vm6 =	veq.s32 v22, $0x0;
	v22 =	vand.u32 $0xFF, v29;
	v12 =	vor.u32 v46, v12  }
0x3c: {  	v10 =	vand.u32 $0x1, v10;
	v11 =	vand.u32 $0x1, v11;
	v15 =	vsel vm6, v23, v16  }
0x3d: {  	v19 =	vsel vm6, $0x8, v0;
	vm10 =	veq.s32 v22, $0x0;
	v10 =	vor.u32 v10, v12  }
0x3e: {  	v12 =	vor.u32 v50, v51;
	v26 =	vand.u32 $0xF, v15;
	v20 =	vshra.s32 v15, $0x4  }
0x3f: {  	v16 =	vor.u32 v25, v19;
	v19 =	vsel vm10, v31, v29;
	v22 =	vsel vm10, $0x8, v0  }
0x40: {  	v10 =	vxor.u32 $0x1, v10;
	v12 =	vor.u32 v53, v12;
	vm7 =	veq.s32 v26, $0x0  }
0x41: {  	v34 =	vshra.s32 v19, $0x4;
	v36 =	vor.u32 v35, v22;
	v12 =	vor.u32 v55, v12  }
0x42: {  	v9 =	vsel vm13, v9, v10;
	vm13 =	veq.s32 v58, $0x0;
	v15 =	vsel vm7, v20, v15  }
0x43: {  	v30 =	vsel vm7, $0x4, v0;
	v8 =	vor.u32 v11, v12;
	v10 =	vsel vm13, v13, v59  }
0x44: {  	v17 =	vsel vm13, $0x0, v3;
	v13 =	vor.u32 v63, v24;
	v16 =	vor.u32 v30, v16  }
0x45: {  	v33 =	vshrl.u32 v15, $0x2;
	vm13 =	veq.s32 v62, $0x0;
	v21 =	vand.u32 $0xC, v10  }
0x46: {  	v18 =	vshrl.u32 v10, $0x2;
	vm15 =	veq.s32 v21, $0x0;
	v21 =	vand.u32 $0x3, v15  }
0x47: {  	v13 =	vor.u32 v17, v13;
	v10 =	vsel vm15, v10, v18;
	vm9 =	veq.s32 v21, $0x0  }
0x48: {  	v21 =	vand.u32 $0xF, v19;
	v40 =	vsel vm15, $0x0, v4;
	v18 =	vand.u32 $0xFF00, v43  }
0x49: {  	vm15 =	vlt.u32 v14, $0x10000;
	v32 =	vsel vm9, $0x2, v0;
	v15 =	vsel vm9, v33, v15  }
0x4a: {  	vm11 =	veq.s32 v21, $0x0;
	vm6 =	veq.s32 v18, $0x0;
	v11 =	vsel vm15, v14, v61  }
0x4b: {  	v13 =	vor.u32 v40, v13;
	v61 =	vsel vm15, $0x20, v5;
	v10 =	vshrl.u32 v10, $0x1  }
0x4c: {  	v16 =	vor.u32 v32, v16;
	v19 =	vsel vm11, v34, v19;
	v37 =	vsel vm11, $0x4, v0  }
0x4d: {  	v15 =	vand.u32 $0x1, v15;
	v46 =	vsel vm6, $0x0, v2;
	v47 =	vand.u32 $0xFF00, v11  }
0x4e: {  	v49 =	vshra.s32 v11, $0x8;
	v10 =	vand.u32 $0x1, v10;
	v38 =	vand.u32 $0x3, v19  }
0x4f: {  	v20 =	vor.u32 v37, v36;
	v39 =	vshrl.u32 v19, $0x2;
	v15 =	vor.u32 v15, v16  }
0x50: {  	vm7 =	veq.s32 v47, $0x0;
	v17 =	vor.u32 v44, v46;
	v10 =	vor.u32 v10, v13  }
0x51: {  	vm12 =	veq.s32 v38, $0x0;
	v15 =	vxor.u32 $0x21, v15;
	v11 =	vsel vm7, v11, v49  }
0x52: {  	v59 =	vsel vm7, $0x0, v2;
	v19 =	vsel vm12, v39, v19;
	v41 =	vsel vm12, $0x2, v0  }
0x53: {  	v52 =	vand.u32 $0xF0, v11;
	v54 =	vshra.s32 v11, $0x4;
	vm12 =	veq.s32 v6, $0x0  }
0x54: {  	v20 =	vor.u32 v41, v20;
	v19 =	vand.u32 $0x1, v19;
	vm9 =	veq.s32 v52, $0x0  }
0x55: {  	v42 =	vor.u32 v19, v20;
	v11 =	vsel vm9, v11, v54;
	v6 =	vsel vm9, $0x0, v3  }
0x56: {  	v16 =	vxor.u32 $0x1, v42;
	v56 =	vand.u32 $0xC, v11;
	v58 =	vshrl.u32 v11, $0x2  }
0x57: {  	v15 =	vsel vm13, v15, v16;
	v16 =	vsel vm6, v43, v45;
	vm11 =	veq.s32 v56, $0x0  }
0x58: {  	vm13 =	veq.s32 v7, $0x0;
	v7 =	vor.u32 v62, v14;
	v48 =	vand.u32 $0xF0, v16  }
0x59: {  	v14 =	vor.u32 v59, v61;
	v50 =	vshra.s32 v16, $0x4;
	vm8 =	veq.s32 v48, $0x0  }
0x5a: {  	v11 =	vsel vm11, v11, v58;
	v60 =	vsel vm11, $0x0, v4;
	v16 =	vsel vm8, v16, v50  }
0x5b: {  	vm15 =	veq.s32 v7, $0x0;
	v6 =	vor.u32 v6, v14;
	v53 =	vand.u32 $0xC, v16  }
0x5c: {  	v11 =	vshrl.u32 v11, $0x1;
	v55 =	vshrl.u32 v16, $0x2;
	vm10 =	veq.s32 v53, $0x0  }
0x5d: {  	v6 =	vor.u32 v60, v6;
	v51 =	vsel vm8, $0x0, v3;
	v16 =	vsel vm10, v16, v55  }
0x5e: {  	v17 =	vor.u32 v51, v17;
	v57 =	vsel vm10, $0x0, v4;
	v62 =	vshrl.u32 v16, $0x1  }
0x5f: {  	v11 =	vand.u32 $0x1, v11;
	v7 =	vor.u32 v57, v17;
	v14 =	vand.u32 $0x1, v62  }
0x60: {  	s31 =	sshll.u32 s11, $0x5;
	v9 =	vsel vm13, $0x40, v9;
	v6 =	vor.u32 v11, v6;
	v7 =	vor.u32 v14, v7  }
0x61: {  	p0 =	sne.s32 s11, $0xF;
	s13 =	sand.u32 $0x3FFFFF00, s31;
	v63 =	vsel vm15, $0x40, v15;
	v9 =	vcvt.s32.f32 v9;
	v6 =	vsel vm14, v7, v6  }
.Ltmp1:
0x62: {  	s12 =	sor.u32 s12, s13;
	v8 =	vsel vm12, v8, v10;
	v7 =	vcvt.s32.f32 v63;
	v6 =	vsel vm15, $0xFFFFFFFF, v6;
	(pc) =	sbr.rel @p0 .LBB2_3-.Ltmp1, $4  }
0x63: {  	v8 =	vsel vm13, $0xFFFFFFFF, v8;
	[tilespmem:s12+$0x880] =	vst v9;
	v6 =	vcvt.s32.f32 v6  }
0x64: {  	[tilespmem:s12+$0x800] =	vst v7;
	v7 =	vcvt.s32.f32 v8  }
0x65: {  	[tilespmem:s12+$0xA00] =	vst v6  }
0x66: {  	s10 =	sadd.s32 $0x10, s10;
	s11 =	sadd.s32 $0x1, s11;
	[tilespmem:s12+$0xA80] =	vst v7  }
0x67: {  	s2 =	sadd.s32 $0x1, s2  }
0x68: {  	p0 =	sne.s32 s2, s5  }
.Ltmp2:
0x69: {  	_ = 	snop;
	(pc) =	sbr.rel @p0 .LBB2_2-.Ltmp2, $4  }
0x6a: {  	[hbm4b:s3+s7] =	stream.strided.scatter [tilespmem:s9], [sflag:$0x1], $0x400, s8, s7, $0x38;
	[tilespmem:$0xC00] =	vst v63  }
0x6b: {  	_ =	swait.ge [sflag:s6], $0x400  }
0x6c: {  	[sflag:s6] =	ssyncset.done $0x0  }
0x6d: {  	[sflag:s6] =	ssyncadd.s32 $0xFFFFFC00  }
.LBB2_5:
0x6e: {  	_ =	sfence.sel $0x180000  }
0x6f: {  	[bflag:$0x0] =	sbarrier.arrive $0xFFFF  }
0x70: {  	p0 =	sne.s32 s1, $0x0;
	_ =	strace $0x90000047  }
0x71: {  	s0 =	sadd.s32 @!p0 $0x100000, s0;
	[bflag:$0x2] =	sbarrier.arrive $0xFFFF  }
0x72: {  	[sflag:s0] =	ssyncadd.tile.s32 @!p0 $0x1;
	_ =	shalt  }
.Lfunc_end2:
_tile_overlayer_lowered:
.L_overlay_start_2:
0x73: {  	(tag) =	ssettag $0x2  }
0x74: {  	s0 =	rddreg [dreg:$0x0];
	s2 =	stileid.u32  }
0x75: {  	s1 =	rddreg [dreg:$0x1];
	p0 =	sne.s32 s2, $0x0  }
0x76: {  	s3 =	rddreg [dreg:$0x2];
	[bflag:$0x3] =	sbarrier.arrive $0xFFFF;
	s2 =	simm.s32 @!p0 $0x1C01  }
0x77: {  	[timem:s3], [sflag:s2] =	dma.local @!p0 [hbm:s0], s1  }
0x78: {  	s0 =	simm.s32 @!p0 $0x1  }
0x79: {  	_ =	swait.ge @!p0 [sflag:s0], s1  }
0x7a: {  	s1 =	ssub.s32 @!p0 $0x0, s1;
	[sflag:s0] =	ssyncset.done @!p0 $0x0  }
0x7b: {  	[sflag:s0] =	ssyncadd.s32 @!p0 s1  }
0x7c: {  	[bflag:$0x3] =	sbarrier.arrive $0xFFFF  }
0x7d: {  	_ =	shalt  }

</sc_bundles>
